<compile_context>
chip_gen: v7x
topology: tpu7x:2x2x1
jax: 0.10.2.dev20260603
libtpu: 0.0.44.dev20260713+nightly
codegen_flags: <defaults>
</compile_context>

<pallas_src>
import jax
import jax.numpy as jnp
from jax import lax
from jax.experimental import pallas as pl
from jax.experimental.pallas import tpu as pltpu
from jax.experimental.pallas import tpu_sc as plsc

N_ROWS = 100000
IN_FEATURES = 256
OUT_FEATURES = 128
N_LEVELS = 8
SEL_W = 16
LEVEL_W = 32
NUM_WORKERS = 32
N_BLOCKS = N_ROWS // 8
CB = 28
CHUNK_ROWS = CB * 8
NCH = 14


def _body(h_hbm, out_hbm, buf0, buf1, si0, si1, so0, so1):
    c = lax.axis_index("c")
    s = lax.axis_index("s")
    w = s * 2 + c
    bstart = (N_BLOCKS * w) // NUM_WORKERS
    bend = (N_BLOCKS * (w + 1)) // NUM_WORKERS
    bufs = (buf0, buf1)
    sis = (si0, si1)
    sos = (so0, so1)

    def row0_of(k):
        return jnp.minimum(bstart + k * CB, bend - CB) * 8

    def in_copy(b, r0):
        return pltpu.make_async_copy(
            h_hbm.at[pl.ds(r0, CHUNK_ROWS), :], bufs[b], sis[b]
        )

    def out_copy(b, r0):
        return pltpu.make_async_copy(
            bufs[b].at[:, pl.ds(0, OUT_FEATURES)],
            out_hbm.at[pl.ds(r0, CHUNK_ROWS), :],
            sos[b],
        )

    for b in range(2):
        in_copy(b, row0_of(b)).start()

    def step(k, b):
        in_copy(b, row0_of(k)).wait()

        @pl.when(k >= 1)
        def _():
            out_copy(1 - b, row0_of(k - 1)).wait()

        @pl.when(jnp.logical_and(k >= 1, k + 1 < NCH))
        def _():
            in_copy(1 - b, row0_of(k + 1)).start()

        def row_body(r, cc):
            for l in range(1, N_LEVELS):
                bufs[b][r, pl.ds(SEL_W * l, SEL_W)] = bufs[b][
                    r, pl.ds(LEVEL_W * l, SEL_W)
                ]
            return cc

        lax.fori_loop(0, CHUNK_ROWS, row_body, 0, unroll=8)
        out_copy(b, row0_of(k)).start()

    def outer(j, carry):
        step(j * 2, 0)
        step(j * 2 + 1, 1)
        return carry

    lax.fori_loop(0, NCH // 2, outer, 0)
    out_copy(1, row0_of(NCH - 1)).wait()


@jax.jit
def kernel(h):
    mesh = plsc.VectorSubcoreMesh(core_axis_name="c", subcore_axis_name="s")
    return pl.kernel(
        _body,
        out_type=jax.ShapeDtypeStruct((N_ROWS, OUT_FEATURES), jnp.float32),
        mesh=mesh,
        scratch_types=[
            pltpu.VMEM((CHUNK_ROWS, IN_FEATURES), jnp.float32),
            pltpu.VMEM((CHUNK_ROWS, IN_FEATURES), jnp.float32),
            pltpu.SemaphoreType.DMA,
            pltpu.SemaphoreType.DMA,
            pltpu.SemaphoreType.DMA,
            pltpu.SemaphoreType.DMA,
        ],
    )(h)

# --- scband reference (transcript-rebuilt; emitter-appended) ---
"""Pipeline reference for scband-multires-select-30502857736877 (READ-ONLY COPY).

The authoritative reference and input builder live on the scoring server;
editing this copy changes nothing except your own understanding.
"""

import jax, jax.numpy as jnp
import numpy as np

LEVEL_N_FEATS = [32, 32, 32, 32, 32, 32, 32, 32]
LEVEL_SELECT_N_FEATS = 16
N_EXTRA_EMBED_CH = 0


def _build_feat_inds():
    exclusive_sum = np.cumsum([0, *LEVEL_N_FEATS])
    feat_inds = []
    for l, n in enumerate(LEVEL_N_FEATS):
        level_n = min(LEVEL_SELECT_N_FEATS, n)
        feat_inds.append(exclusive_sum[l] + np.arange(level_n))
    return jnp.asarray(np.concatenate(feat_inds), dtype=jnp.int32)


FEAT_INDS = _build_feat_inds()
IN_FEATURES = sum(LEVEL_N_FEATS) + N_EXTRA_EMBED_CH


def setup_inputs(seed: int = 0) -> dict:
    key = jax.random.key(seed)
    h = jax.random.normal(key, (100000, IN_FEATURES), dtype=jnp.float32)
    return {"h": h}


def reference(h):
    assert h.shape[-1] == IN_FEATURES
    if N_EXTRA_EMBED_CH > 0:
        return jnp.concatenate([jnp.take(h, FEAT_INDS, axis=-1), h[..., -N_EXTRA_EMBED_CH:]], axis=-1)
    else:
        return jnp.take(h, FEAT_INDS, axis=-1)

if __name__ == "__main__":
    import jax
    _d = setup_inputs()
    print(jax.jit(kernel)(*tuple(_d.values())))

</pallas_src>

<mosaic_0001>
#map = affine_map<(d0, d1) -> (0, 0)>
module attributes {stable_mosaic.version = 14 : i64} {
  func.func @_body(%arg0: i32, %arg1: i32, %arg2: memref<100000x256xf32, #tpu.memory_space<hbm>>, %arg3: memref<100000x128xf32, #tpu.memory_space<hbm>>, %arg4: memref<224x256xf32, #tpu.memory_space<vmem>>, %arg5: memref<224x256xf32, #tpu.memory_space<vmem>>, %arg6: memref<!tpu.dma_semaphore, #tpu.memory_space<semaphore_mem>>, %arg7: memref<!tpu.dma_semaphore, #tpu.memory_space<semaphore_mem>>, %arg8: memref<!tpu.dma_semaphore, #tpu.memory_space<semaphore_mem>>, %arg9: memref<!tpu.dma_semaphore, #tpu.memory_space<semaphore_mem>>) attributes {dimension_semantics = [#tpu.dimension_semantics<core_parallel>, #tpu.dimension_semantics<subcore_parallel>], iteration_bounds = array<i64: 2, 16>, scalar_prefetch = 0 : i64, scratch_operands = 6 : i64, tpu.core_type = #tpu.core_type<sc_vector_subcore>, window_params = [{transform_indices = #map}, {transform_indices = #map}]} {
    %mul3A = arith.constant 2 : i32
    %mul3A_0 = arith.muli %arg1, %mul3A : i32
    %add3A = arith.addi %mul3A_0, %arg0 : i32
    %mul3A_1 = arith.constant 12500 : i32
    %mul3A_2 = arith.muli %mul3A_1, %add3A : i32
    %jit3A = arith.constant 32 : i32
    %div3A = arith.divsi %mul3A_2, %jit3A : i32
    %sign3A = arith.constant 0 : i32
    %sign3A_3 = arith.cmpi sgt, %mul3A_2, %sign3A : i32
    %sign3A_4 = arith.extui %sign3A_3 : i1 to i32
    %sign3A_5 = arith.constant 0 : i32
    %sign3A_6 = arith.cmpi slt, %mul3A_2, %sign3A_5 : i32
    %sign3A_7 = arith.extui %sign3A_6 : i1 to i32
    %sign3A_8 = arith.subi %sign3A_4, %sign3A_7 : i32
    %sign3A_9 = arith.constant 0 : i32
    %sign3A_10 = arith.cmpi sgt, %jit3A, %sign3A_9 : i32
    %sign3A_11 = arith.extui %sign3A_10 : i1 to i32
    %sign3A_12 = arith.constant 0 : i32
    %sign3A_13 = arith.cmpi slt, %jit3A, %sign3A_12 : i32
    %sign3A_14 = arith.extui %sign3A_13 : i1 to i32
    %sign3A_15 = arith.subi %sign3A_11, %sign3A_14 : i32
    %ne3A = arith.cmpi ne, %sign3A_8, %sign3A_15 : i32
    %rem3A = arith.remsi %mul3A_2, %jit3A : i32
    %ne3A_16 = arith.constant 0 : i32
    %ne3A_17 = arith.cmpi ne, %rem3A, %ne3A_16 : i32
    %and3A = arith.andi %ne3A, %ne3A_17 : i1
    %sub3A = arith.constant 1 : i32
    %sub3A_18 = arith.subi %div3A, %sub3A : i32
    %select_n3A = arith.select %and3A, %sub3A_18, %div3A : i32
    %add3A_19 = arith.constant 1 : i32
    %add3A_20 = arith.addi %add3A, %add3A_19 : i32
    %mul3A_21 = arith.constant 12500 : i32
    %mul3A_22 = arith.muli %mul3A_21, %add3A_20 : i32
    %jit3A_23 = arith.constant 32 : i32
    %div3A_24 = arith.divsi %mul3A_22, %jit3A_23 : i32
    %sign3A_25 = arith.constant 0 : i32
    %sign3A_26 = arith.cmpi sgt, %mul3A_22, %sign3A_25 : i32
    %sign3A_27 = arith.extui %sign3A_26 : i1 to i32
    %sign3A_28 = arith.constant 0 : i32
    %sign3A_29 = arith.cmpi slt, %mul3A_22, %sign3A_28 : i32
    %sign3A_30 = arith.extui %sign3A_29 : i1 to i32
    %sign3A_31 = arith.subi %sign3A_27, %sign3A_30 : i32
    %sign3A_32 = arith.constant 0 : i32
    %sign3A_33 = arith.cmpi sgt, %jit3A_23, %sign3A_32 : i32
    %sign3A_34 = arith.extui %sign3A_33 : i1 to i32
    %sign3A_35 = arith.constant 0 : i32
    %sign3A_36 = arith.cmpi slt, %jit3A_23, %sign3A_35 : i32
    %sign3A_37 = arith.extui %sign3A_36 : i1 to i32
    %sign3A_38 = arith.subi %sign3A_34, %sign3A_37 : i32
    %ne3A_39 = arith.cmpi ne, %sign3A_31, %sign3A_38 : i32
    %rem3A_40 = arith.remsi %mul3A_22, %jit3A_23 : i32
    %ne3A_41 = arith.constant 0 : i32
    %ne3A_42 = arith.cmpi ne, %rem3A_40, %ne3A_41 : i32
    %and3A_43 = arith.andi %ne3A_39, %ne3A_42 : i1
    %sub3A_44 = arith.constant 1 : i32
    %sub3A_45 = arith.subi %div3A_24, %sub3A_44 : i32
    %select_n3A_46 = arith.select %and3A_43, %sub3A_45, %div3A_24 : i32
    %add3A_47 = arith.constant 0 : i32
    %add3A_48 = arith.addi %select_n3A, %add3A_47 : i32
    %sub3A_49 = arith.constant 28 : i32
    %sub3A_50 = arith.subi %select_n3A_46, %sub3A_49 : i32
    %min3A = arith.minsi %add3A_48, %sub3A_50 : i32
    %mul3A_51 = arith.constant 8 : i32
    %mul3A_52 = arith.muli %min3A, %mul3A_51 : i32
    %dma_start3A = arith.constant 0 : i32
    %dma_start3A_53 = tpu.memref_slice %arg2[%mul3A_52, %dma_start3A] : memref<100000x256xf32, #tpu.memory_space<hbm>> -> memref<224x256xf32, #tpu.memory_space<hbm>>
    %dma_start3A_54 = arith.constant 0 : i32
    %dma_start3A_55 = tpu.memref_slice %arg2[%mul3A_52, %dma_start3A_54] : memref<100000x256xf32, #tpu.memory_space<hbm>> -> memref<224x256xf32, #tpu.memory_space<hbm>>
    tpu.enqueue_dma source(%dma_start3A_55 : memref<224x256xf32, #tpu.memory_space<hbm>>) target(%arg4 : memref<224x256xf32, #tpu.memory_space<vmem>>) target_semaphore(%arg6 : memref<!tpu.dma_semaphore, #tpu.memory_space<semaphore_mem>>)
    %add3A_56 = arith.constant 28 : i32
    %add3A_57 = arith.addi %select_n3A, %add3A_56 : i32
    %sub3A_58 = arith.constant 28 : i32
    %sub3A_59 = arith.subi %select_n3A_46, %sub3A_58 : i32
    %min3A_60 = arith.minsi %add3A_57, %sub3A_59 : i32
    %mul3A_61 = arith.constant 8 : i32
    %mul3A_62 = arith.muli %min3A_60, %mul3A_61 : i32
    %dma_start3A_63 = arith.constant 0 : i32
    %dma_start3A_64 = tpu.memref_slice %arg2[%mul3A_62, %dma_start3A_63] : memref<100000x256xf32, #tpu.memory_space<hbm>> -> memref<224x256xf32, #tpu.memory_space<hbm>>
    %dma_start3A_65 = arith.constant 0 : i32
    %dma_start3A_66 = tpu.memref_slice %arg2[%mul3A_62, %dma_start3A_65] : memref<100000x256xf32, #tpu.memory_space<hbm>> -> memref<224x256xf32, #tpu.memory_space<hbm>>
    tpu.enqueue_dma source(%dma_start3A_66 : memref<224x256xf32, #tpu.memory_space<hbm>>) target(%arg5 : memref<224x256xf32, #tpu.memory_space<vmem>>) target_semaphore(%arg7 : memref<!tpu.dma_semaphore, #tpu.memory_space<semaphore_mem>>)
    %scan3A = arith.constant 0 : i32
    %scan3A_67 = arith.constant 0 : i32
    %scan3A_68 = arith.constant 7 : i32
    %scan3A_69 = arith.addi %scan3A_67, %scan3A_68 : i32
    %scan3A_70 = arith.constant 1 : i32
    scf.for %scan3A_88 = %scan3A_67 to %scan3A_69 step %scan3A_70  : i32 {
      %mul3A_89 = arith.constant 2 : i32
      %mul3A_90 = arith.muli %scan3A_88, %mul3A_89 : i32
      %mul3A_91 = arith.constant 28 : i32
      %mul3A_92 = arith.muli %mul3A_90, %mul3A_91 : i32
      %add3A_93 = arith.addi %select_n3A, %mul3A_92 : i32
      %sub3A_94 = arith.constant 28 : i32
      %sub3A_95 = arith.subi %select_n3A_46, %sub3A_94 : i32
      %min3A_96 = arith.minsi %add3A_93, %sub3A_95 : i32
      %mul3A_97 = arith.constant 8 : i32
      %mul3A_98 = arith.muli %min3A_96, %mul3A_97 : i32
      %dma_wait3A_99 = arith.constant 0 : i32
      %dma_wait3A_100 = tpu.memref_slice %arg2[%mul3A_98, %dma_wait3A_99] : memref<100000x256xf32, #tpu.memory_space<hbm>> -> memref<224x256xf32, #tpu.memory_space<hbm>>
      %dma_wait3A_101 = arith.constant 0 : i32
      %dma_wait3A_102 = tpu.memref_slice %arg2[%mul3A_98, %dma_wait3A_101] : memref<100000x256xf32, #tpu.memory_space<hbm>> -> memref<224x256xf32, #tpu.memory_space<hbm>>
      tpu.wait_dma2 semaphore(%arg6 : memref<!tpu.dma_semaphore, #tpu.memory_space<semaphore_mem>>) src(%dma_wait3A_102 : memref<224x256xf32, #tpu.memory_space<hbm>>) dst(%arg4 : memref<224x256xf32, #tpu.memory_space<vmem>>)
      %ge3A = arith.constant 1 : i32
      %ge3A_103 = arith.cmpi sge, %mul3A_90, %ge3A : i32
      %convert_element_type3A = arith.extui %ge3A_103 : i1 to i32
      %cond3A = arith.constant 0 : i32
      %cond3A_104 = arith.cmpi ne, %convert_element_type3A, %cond3A : i32
      scf.if %cond3A_104 {
        %sub3A_193 = arith.constant 1 : i32
        %sub3A_194 = arith.subi %mul3A_90, %sub3A_193 : i32
        %mul3A_195 = arith.constant 28 : i32
        %mul3A_196 = arith.muli %sub3A_194, %mul3A_195 : i32
        %add3A_197 = arith.addi %select_n3A, %mul3A_196 : i32
        %sub3A_198 = arith.constant 28 : i32
        %sub3A_199 = arith.subi %select_n3A_46, %sub3A_198 : i32
        %min3A_200 = arith.minsi %add3A_197, %sub3A_199 : i32
        %mul3A_201 = arith.constant 8 : i32
        %mul3A_202 = arith.muli %min3A_200, %mul3A_201 : i32
        %dma_wait3A_203 = arith.constant 0 : i32
        %dma_wait3A_204 = arith.constant 0 : i32
        %dma_wait3A_205 = tpu.memref_slice %arg5[%dma_wait3A_203, %dma_wait3A_204] : memref<224x256xf32, #tpu.memory_space<vmem>> -> memref<224x128xf32, #tpu.memory_space<vmem>>
        %dma_wait3A_206 = arith.constant 0 : i32
        %dma_wait3A_207 = tpu.memref_slice %arg3[%mul3A_202, %dma_wait3A_206] : memref<100000x128xf32, #tpu.memory_space<hbm>> -> memref<224x128xf32, #tpu.memory_space<hbm>>
        %dma_wait3A_208 = arith.constant 0 : i32
        %dma_wait3A_209 = tpu.memref_slice %arg3[%mul3A_202, %dma_wait3A_208] : memref<100000x128xf32, #tpu.memory_space<hbm>> -> memref<224x128xf32, #tpu.memory_space<hbm>>
        %dma_wait3A_210 = arith.constant 0 : i32
        %dma_wait3A_211 = arith.constant 0 : i32
        %dma_wait3A_212 = tpu.memref_slice %arg5[%dma_wait3A_210, %dma_wait3A_211] : memref<224x256xf32, #tpu.memory_space<vmem>> -> memref<224x128xf32, #tpu.memory_space<vmem>>
        tpu.wait_dma2 semaphore(%arg9 : memref<!tpu.dma_semaphore, #tpu.memory_space<semaphore_mem>>) src(%dma_wait3A_212 : memref<224x128xf32, #tpu.memory_space<vmem>>) dst(%dma_wait3A_209 : memref<224x128xf32, #tpu.memory_space<hbm>>)
      } else {
      }
      %ge3A_105 = arith.constant 1 : i32
      %ge3A_106 = arith.cmpi sge, %mul3A_90, %ge3A_105 : i32
      %add3A_107 = arith.constant 1 : i32
      %add3A_108 = arith.addi %mul3A_90, %add3A_107 : i32
      %lt3A = arith.constant 14 : i32
      %lt3A_109 = arith.cmpi slt, %add3A_108, %lt3A : i32
      %and3A_110 = arith.andi %ge3A_106, %lt3A_109 : i1
      %convert_element_type3A_111 = arith.extui %and3A_110 : i1 to i32
      %cond3A_112 = arith.constant 0 : i32
      %cond3A_113 = arith.cmpi ne, %convert_element_type3A_111, %cond3A_112 : i32
      scf.if %cond3A_113 {
        %add3A_193 = arith.constant 1 : i32
        %add3A_194 = arith.addi %mul3A_90, %add3A_193 : i32
        %mul3A_195 = arith.constant 28 : i32
        %mul3A_196 = arith.muli %add3A_194, %mul3A_195 : i32
        %add3A_197 = arith.addi %select_n3A, %mul3A_196 : i32
        %sub3A_198 = arith.constant 28 : i32
        %sub3A_199 = arith.subi %select_n3A_46, %sub3A_198 : i32
        %min3A_200 = arith.minsi %add3A_197, %sub3A_199 : i32
        %mul3A_201 = arith.constant 8 : i32
        %mul3A_202 = arith.muli %min3A_200, %mul3A_201 : i32
        %dma_start3A_203 = arith.constant 0 : i32
        %dma_start3A_204 = tpu.memref_slice %arg2[%mul3A_202, %dma_start3A_203] : memref<100000x256xf32, #tpu.memory_space<hbm>> -> memref<224x256xf32, #tpu.memory_space<hbm>>
        %dma_start3A_205 = arith.constant 0 : i32
        %dma_start3A_206 = tpu.memref_slice %arg2[%mul3A_202, %dma_start3A_205] : memref<100000x256xf32, #tpu.memory_space<hbm>> -> memref<224x256xf32, #tpu.memory_space<hbm>>
        tpu.enqueue_dma source(%dma_start3A_206 : memref<224x256xf32, #tpu.memory_space<hbm>>) target(%arg5 : memref<224x256xf32, #tpu.memory_space<vmem>>) target_semaphore(%arg7 : memref<!tpu.dma_semaphore, #tpu.memory_space<semaphore_mem>>)
      } else {
      }
      %scan3A_114 = arith.constant 0 : i32
      %scan3A_115 = arith.constant 0 : i32
      %scan3A_116 = arith.constant 224 : i32
      %scan3A_117 = arith.addi %scan3A_115, %scan3A_116 : i32
      %scan3A_118 = arith.constant 8 : i32
      scf.for %scan3A_193 = %scan3A_115 to %scan3A_117 step %scan3A_118  : i32 {
        %get3A = arith.index_cast %scan3A_193 : i32 to index
        %get3A_194 = arith.constant 32 : index
        %get3A_195 = tpu.vector_load %arg4[%get3A, %get3A_194] {strides = array<i32>} : memref<224x256xf32, #tpu.memory_space<vmem>>, vector<1x16xf32>,
        %get3A_196 = vector.shape_cast %get3A_195 : vector<1x16xf32> to vector<16xf32>
        %swap3A = arith.index_cast %scan3A_193 : i32 to index
        %swap3A_197 = arith.constant 16 : index
        %swap3A_198 = tpu.vector_load %arg4[%swap3A, %swap3A_197] {strides = array<i32>} : memref<224x256xf32, #tpu.memory_space<vmem>>, vector<1x16xf32>,
        %swap3A_199 = vector.shape_cast %swap3A_198 : vector<1x16xf32> to vector<16xf32>
        %swap3A_200 = vector.shape_cast %get3A_196 : vector<16xf32> to vector<1x16xf32>
        tpu.vector_store %arg4[%swap3A, %swap3A_197], %swap3A_200 {strides = array<i32>} : memref<224x256xf32, #tpu.memory_space<vmem>>, vector<1x16xf32>,
        %get3A_201 = arith.index_cast %scan3A_193 : i32 to index
        %get3A_202 = arith.constant 64 : index
        %get3A_203 = tpu.vector_load %arg4[%get3A_201, %get3A_202] {strides = array<i32>} : memref<224x256xf32, #tpu.memory_space<vmem>>, vector<1x16xf32>,
        %get3A_204 = vector.shape_cast %get3A_203 : vector<1x16xf32> to vector<16xf32>
        %swap3A_205 = arith.index_cast %scan3A_193 : i32 to index
        %swap3A_206 = arith.constant 32 : index
        %swap3A_207 = tpu.vector_load %arg4[%swap3A_205, %swap3A_206] {strides = array<i32>} : memref<224x256xf32, #tpu.memory_space<vmem>>, vector<1x16xf32>,
        %swap3A_208 = vector.shape_cast %swap3A_207 : vector<1x16xf32> to vector<16xf32>
        %swap3A_209 = vector.shape_cast %get3A_204 : vector<16xf32> to vector<1x16xf32>
        tpu.vector_store %arg4[%swap3A_205, %swap3A_206], %swap3A_209 {strides = array<i32>} : memref<224x256xf32, #tpu.memory_space<vmem>>, vector<1x16xf32>,
        %get3A_210 = arith.index_cast %scan3A_193 : i32 to index
        %get3A_211 = arith.constant 96 : index
        %get3A_212 = tpu.vector_load %arg4[%get3A_210, %get3A_211] {strides = array<i32>} : memref<224x256xf32, #tpu.memory_space<vmem>>, vector<1x16xf32>,
        %get3A_213 = vector.shape_cast %get3A_212 : vector<1x16xf32> to vector<16xf32>
        %swap3A_214 = arith.index_cast %scan3A_193 : i32 to index
        %swap3A_215 = arith.constant 48 : index
        %swap3A_216 = tpu.vector_load %arg4[%swap3A_214, %swap3A_215] {strides = array<i32>} : memref<224x256xf32, #tpu.memory_space<vmem>>, vector<1x16xf32>,
        %swap3A_217 = vector.shape_cast %swap3A_216 : vector<1x16xf32> to vector<16xf32>
        %swap3A_218 = vector.shape_cast %get3A_213 : vector<16xf32> to vector<1x16xf32>
        tpu.vector_store %arg4[%swap3A_214, %swap3A_215], %swap3A_218 {strides = array<i32>} : memref<224x256xf32, #tpu.memory_space<vmem>>, vector<1x16xf32>,
        %get3A_219 = arith.index_cast %scan3A_193 : i32 to index
        %get3A_220 = arith.constant 128 : index
        %get3A_221 = tpu.vector_load %arg4[%get3A_219, %get3A_220] {strides = array<i32>} : memref<224x256xf32, #tpu.memory_space<vmem>>, vector<1x16xf32>,
        %get3A_222 = vector.shape_cast %get3A_221 : vector<1x16xf32> to vector<16xf32>
        %swap3A_223 = arith.index_cast %scan3A_193 : i32 to index
        %swap3A_224 = arith.constant 64 : index
        %swap3A_225 = tpu.vector_load %arg4[%swap3A_223, %swap3A_224] {strides = array<i32>} : memref<224x256xf32, #tpu.memory_space<vmem>>, vector<1x16xf32>,
        %swap3A_226 = vector.shape_cast %swap3A_225 : vector<1x16xf32> to vector<16xf32>
        %swap3A_227 = vector.shape_cast %get3A_222 : vector<16xf32> to vector<1x16xf32>
        tpu.vector_store %arg4[%swap3A_223, %swap3A_224], %swap3A_227 {strides = array<i32>} : memref<224x256xf32, #tpu.memory_space<vmem>>, vector<1x16xf32>,
        %get3A_228 = arith.index_cast %scan3A_193 : i32 to index
        %get3A_229 = arith.constant 160 : index
        %get3A_230 = tpu.vector_load %arg4[%get3A_228, %get3A_229] {strides = array<i32>} : memref<224x256xf32, #tpu.memory_space<vmem>>, vector<1x16xf32>,
        %get3A_231 = vector.shape_cast %get3A_230 : vector<1x16xf32> to vector<16xf32>
        %swap3A_232 = arith.index_cast %scan3A_193 : i32 to index
        %swap3A_233 = arith.constant 80 : index
        %swap3A_234 = tpu.vector_load %arg4[%swap3A_232, %swap3A_233] {strides = array<i32>} : memref<224x256xf32, #tpu.memory_space<vmem>>, vector<1x16xf32>,
        %swap3A_235 = vector.shape_cast %swap3A_234 : vector<1x16xf32> to vector<16xf32>
        %swap3A_236 = vector.shape_cast %get3A_231 : vector<16xf32> to vector<1x16xf32>
        tpu.vector_store %arg4[%swap3A_232, %swap3A_233], %swap3A_236 {strides = array<i32>} : memref<224x256xf32, #tpu.memory_space<vmem>>, vector<1x16xf32>,
        %get3A_237 = arith.index_cast %scan3A_193 : i32 to index
        %get3A_238 = arith.constant 192 : index
        %get3A_239 = tpu.vector_load %arg4[%get3A_237, %get3A_238] {strides = array<i32>} : memref<224x256xf32, #tpu.memory_space<vmem>>, vector<1x16xf32>,
        %get3A_240 = vector.shape_cast %get3A_239 : vector<1x16xf32> to vector<16xf32>
        %swap3A_241 = arith.index_cast %scan3A_193 : i32 to index
        %swap3A_242 = arith.constant 96 : index
        %swap3A_243 = tpu.vector_load %arg4[%swap3A_241, %swap3A_242] {strides = array<i32>} : memref<224x256xf32, #tpu.memory_space<vmem>>, vector<1x16xf32>,
        %swap3A_244 = vector.shape_cast %swap3A_243 : vector<1x16xf32> to vector<16xf32>
        %swap3A_245 = vector.shape_cast %get3A_240 : vector<16xf32> to vector<1x16xf32>
        tpu.vector_store %arg4[%swap3A_241, %swap3A_242], %swap3A_245 {strides = array<i32>} : memref<224x256xf32, #tpu.memory_space<vmem>>, vector<1x16xf32>,
        %get3A_246 = arith.index_cast %scan3A_193 : i32 to index
        %get3A_247 = arith.constant 224 : index
        %get3A_248 = tpu.vector_load %arg4[%get3A_246, %get3A_247] {strides = array<i32>} : memref<224x256xf32, #tpu.memory_space<vmem>>, vector<1x16xf32>,
        %get3A_249 = vector.shape_cast %get3A_248 : vector<1x16xf32> to vector<16xf32>
        %swap3A_250 = arith.index_cast %scan3A_193 : i32 to index
        %swap3A_251 = arith.constant 112 : index
        %swap3A_252 = tpu.vector_load %arg4[%swap3A_250, %swap3A_251] {strides = array<i32>} : memref<224x256xf32, #tpu.memory_space<vmem>>, vector<1x16xf32>,
        %swap3A_253 = vector.shape_cast %swap3A_252 : vector<1x16xf32> to vector<16xf32>
        %swap3A_254 = vector.shape_cast %get3A_249 : vector<16xf32> to vector<1x16xf32>
        tpu.vector_store %arg4[%swap3A_250, %swap3A_251], %swap3A_254 {strides = array<i32>} : memref<224x256xf32, #tpu.memory_space<vmem>>, vector<1x16xf32>,
        %scan3A_255 = arith.constant 1 : i32
        %scan3A_256 = arith.addi %scan3A_193, %scan3A_255 : i32
        %get3A_257 = arith.index_cast %scan3A_256 : i32 to index
        %get3A_258 = arith.constant 32 : index
        %get3A_259 = tpu.vector_load %arg4[%get3A_257, %get3A_258] {strides = array<i32>} : memref<224x256xf32, #tpu.memory_space<vmem>>, vector<1x16xf32>,
        %get3A_260 = vector.shape_cast %get3A_259 : vector<1x16xf32> to vector<16xf32>
        %swap3A_261 = arith.index_cast %scan3A_256 : i32 to index
        %swap3A_262 = arith.constant 16 : index
        %swap3A_263 = tpu.vector_load %arg4[%swap3A_261, %swap3A_262] {strides = array<i32>} : memref<224x256xf32, #tpu.memory_space<vmem>>, vector<1x16xf32>,
        %swap3A_264 = vector.shape_cast %swap3A_263 : vector<1x16xf32> to vector<16xf32>
        %swap3A_265 = vector.shape_cast %get3A_260 : vector<16xf32> to vector<1x16xf32>
        tpu.vector_store %arg4[%swap3A_261, %swap3A_262], %swap3A_265 {strides = array<i32>} : memref<224x256xf32, #tpu.memory_space<vmem>>, vector<1x16xf32>,
        %get3A_266 = arith.index_cast %scan3A_256 : i32 to index
        %get3A_267 = arith.constant 64 : index
        %get3A_268 = tpu.vector_load %arg4[%get3A_266, %get3A_267] {strides = array<i32>} : memref<224x256xf32, #tpu.memory_space<vmem>>, vector<1x16xf32>,
        %get3A_269 = vector.shape_cast %get3A_268 : vector<1x16xf32> to vector<16xf32>
        %swap3A_270 = arith.index_cast %scan3A_256 : i32 to index
        %swap3A_271 = arith.constant 32 : index
        %swap3A_272 = tpu.vector_load %arg4[%swap3A_270, %swap3A_271] {strides = array<i32>} : memref<224x256xf32, #tpu.memory_space<vmem>>, vector<1x16xf32>,
        %swap3A_273 = vector.shape_cast %swap3A_272 : vector<1x16xf32> to vector<16xf32>
        %swap3A_274 = vector.shape_cast %get3A_269 : vector<16xf32> to vector<1x16xf32>
        tpu.vector_store %arg4[%swap3A_270, %swap3A_271], %swap3A_274 {strides = array<i32>} : memref<224x256xf32, #tpu.memory_space<vmem>>, vector<1x16xf32>,
        %get3A_275 = arith.index_cast %scan3A_256 : i32 to index
        %get3A_276 = arith.constant 96 : index
        %get3A_277 = tpu.vector_load %arg4[%get3A_275, %get3A_276] {strides = array<i32>} : memref<224x256xf32, #tpu.memory_space<vmem>>, vector<1x16xf32>,
        %get3A_278 = vector.shape_cast %get3A_277 : vector<1x16xf32> to vector<16xf32>
        %swap3A_279 = arith.index_cast %scan3A_256 : i32 to index
        %swap3A_280 = arith.constant 48 : index
        %swap3A_281 = tpu.vector_load %arg4[%swap3A_279, %swap3A_280] {strides = array<i32>} : memref<224x256xf32, #tpu.memory_space<vmem>>, vector<1x16xf32>,
        %swap3A_282 = vector.shape_cast %swap3A_281 : vector<1x16xf32> to vector<16xf32>
        %swap3A_283 = vector.shape_cast %get3A_278 : vector<16xf32> to vector<1x16xf32>
        tpu.vector_store %arg4[%swap3A_279, %swap3A_280], %swap3A_283 {strides = array<i32>} : memref<224x256xf32, #tpu.memory_space<vmem>>, vector<1x16xf32>,
        %get3A_284 = arith.index_cast %scan3A_256 : i32 to index
        %get3A_285 = arith.constant 128 : index
        %get3A_286 = tpu.vector_load %arg4[%get3A_284, %get3A_285] {strides = array<i32>} : memref<224x256xf32, #tpu.memory_space<vmem>>, vector<1x16xf32>,
        %get3A_287 = vector.shape_cast %get3A_286 : vector<1x16xf32> to vector<16xf32>
        %swap3A_288 = arith.index_cast %scan3A_256 : i32 to index
        %swap3A_289 = arith.constant 64 : index
        %swap3A_290 = tpu.vector_load %arg4[%swap3A_288, %swap3A_289] {strides = array<i32>} : memref<224x256xf32, #tpu.memory_space<vmem>>, vector<1x16xf32>,
        %swap3A_291 = vector.shape_cast %swap3A_290 : vector<1x16xf32> to vector<16xf32>
        %swap3A_292 = vector.shape_cast %get3A_287 : vector<16xf32> to vector<1x16xf32>
        tpu.vector_store %arg4[%swap3A_288, %swap3A_289], %swap3A_292 {strides = array<i32>} : memref<224x256xf32, #tpu.memory_space<vmem>>, vector<1x16xf32>,
        %get3A_293 = arith.index_cast %scan3A_256 : i32 to index
        %get3A_294 = arith.constant 160 : index
        %get3A_295 = tpu.vector_load %arg4[%get3A_293, %get3A_294] {strides = array<i32>} : memref<224x256xf32, #tpu.memory_space<vmem>>, vector<1x16xf32>,
        %get3A_296 = vector.shape_cast %get3A_295 : vector<1x16xf32> to vector<16xf32>
        %swap3A_297 = arith.index_cast %scan3A_256 : i32 to index
        %swap3A_298 = arith.constant 80 : index
        %swap3A_299 = tpu.vector_load %arg4[%swap3A_297, %swap3A_298] {strides = array<i32>} : memref<224x256xf32, #tpu.memory_space<vmem>>, vector<1x16xf32>,
        %swap3A_300 = vector.shape_cast %swap3A_299 : vector<1x16xf32> to vector<16xf32>
        %swap3A_301 = vector.shape_cast %get3A_296 : vector<16xf32> to vector<1x16xf32>
        tpu.vector_store %arg4[%swap3A_297, %swap3A_298], %swap3A_301 {strides = array<i32>} : memref<224x256xf32, #tpu.memory_space<vmem>>, vector<1x16xf32>,
        %get3A_302 = arith.index_cast %scan3A_256 : i32 to index
        %get3A_303 = arith.constant 192 : index
        %get3A_304 = tpu.vector_load %arg4[%get3A_302, %get3A_303] {strides = array<i32>} : memref<224x256xf32, #tpu.memory_space<vmem>>, vector<1x16xf32>,
        %get3A_305 = vector.shape_cast %get3A_304 : vector<1x16xf32> to vector<16xf32>
        %swap3A_306 = arith.index_cast %scan3A_256 : i32 to index
        %swap3A_307 = arith.constant 96 : index
        %swap3A_308 = tpu.vector_load %arg4[%swap3A_306, %swap3A_307] {strides = array<i32>} : memref<224x256xf32, #tpu.memory_space<vmem>>, vector<1x16xf32>,
        %swap3A_309 = vector.shape_cast %swap3A_308 : vector<1x16xf32> to vector<16xf32>
        %swap3A_310 = vector.shape_cast %get3A_305 : vector<16xf32> to vector<1x16xf32>
        tpu.vector_store %arg4[%swap3A_306, %swap3A_307], %swap3A_310 {strides = array<i32>} : memref<224x256xf32, #tpu.memory_space<vmem>>, vector<1x16xf32>,
        %get3A_311 = arith.index_cast %scan3A_256 : i32 to index
        %get3A_312 = arith.constant 224 : index
        %get3A_313 = tpu.vector_load %arg4[%get3A_311, %get3A_312] {strides = array<i32>} : memref<224x256xf32, #tpu.memory_space<vmem>>, vector<1x16xf32>,
        %get3A_314 = vector.shape_cast %get3A_313 : vector<1x16xf32> to vector<16xf32>
        %swap3A_315 = arith.index_cast %scan3A_256 : i32 to index
        %swap3A_316 = arith.constant 112 : index
        %swap3A_317 = tpu.vector_load %arg4[%swap3A_315, %swap3A_316] {strides = array<i32>} : memref<224x256xf32, #tpu.memory_space<vmem>>, vector<1x16xf32>,
        %swap3A_318 = vector.shape_cast %swap3A_317 : vector<1x16xf32> to vector<16xf32>
        %swap3A_319 = vector.shape_cast %get3A_314 : vector<16xf32> to vector<1x16xf32>
        tpu.vector_store %arg4[%swap3A_315, %swap3A_316], %swap3A_319 {strides = array<i32>} : memref<224x256xf32, #tpu.memory_space<vmem>>, vector<1x16xf32>,
        %scan3A_320 = arith.constant 2 : i32
        %scan3A_321 = arith.addi %scan3A_193, %scan3A_320 : i32
        %get3A_322 = arith.index_cast %scan3A_321 : i32 to index
        %get3A_323 = arith.constant 32 : index
        %get3A_324 = tpu.vector_load %arg4[%get3A_322, %get3A_323] {strides = array<i32>} : memref<224x256xf32, #tpu.memory_space<vmem>>, vector<1x16xf32>,
        %get3A_325 = vector.shape_cast %get3A_324 : vector<1x16xf32> to vector<16xf32>
        %swap3A_326 = arith.index_cast %scan3A_321 : i32 to index
        %swap3A_327 = arith.constant 16 : index
        %swap3A_328 = tpu.vector_load %arg4[%swap3A_326, %swap3A_327] {strides = array<i32>} : memref<224x256xf32, #tpu.memory_space<vmem>>, vector<1x16xf32>,
        %swap3A_329 = vector.shape_cast %swap3A_328 : vector<1x16xf32> to vector<16xf32>
        %swap3A_330 = vector.shape_cast %get3A_325 : vector<16xf32> to vector<1x16xf32>
        tpu.vector_store %arg4[%swap3A_326, %swap3A_327], %swap3A_330 {strides = array<i32>} : memref<224x256xf32, #tpu.memory_space<vmem>>, vector<1x16xf32>,
        %get3A_331 = arith.index_cast %scan3A_321 : i32 to index
        %get3A_332 = arith.constant 64 : index
        %get3A_333 = tpu.vector_load %arg4[%get3A_331, %get3A_332] {strides = array<i32>} : memref<224x256xf32, #tpu.memory_space<vmem>>, vector<1x16xf32>,
        %get3A_334 = vector.shape_cast %get3A_333 : vector<1x16xf32> to vector<16xf32>
        %swap3A_335 = arith.index_cast %scan3A_321 : i32 to index
        %swap3A_336 = arith.constant 32 : index
        %swap3A_337 = tpu.vector_load %arg4[%swap3A_335, %swap3A_336] {strides = array<i32>} : memref<224x256xf32, #tpu.memory_space<vmem>>, vector<1x16xf32>,
        %swap3A_338 = vector.shape_cast %swap3A_337 : vector<1x16xf32> to vector<16xf32>
        %swap3A_339 = vector.shape_cast %get3A_334 : vector<16xf32> to vector<1x16xf32>
        tpu.vector_store %arg4[%swap3A_335, %swap3A_336], %swap3A_339 {strides = array<i32>} : memref<224x256xf32, #tpu.memory_space<vmem>>, vector<1x16xf32>,
        %get3A_340 = arith.index_cast %scan3A_321 : i32 to index
        %get3A_341 = arith.constant 96 : index
        %get3A_342 = tpu.vector_load %arg4[%get3A_340, %get3A_341] {strides = array<i32>} : memref<224x256xf32, #tpu.memory_space<vmem>>, vector<1x16xf32>,
        %get3A_343 = vector.shape_cast %get3A_342 : vector<1x16xf32> to vector<16xf32>
        %swap3A_344 = arith.index_cast %scan3A_321 : i32 to index
        %swap3A_345 = arith.constant 48 : index
        %swap3A_346 = tpu.vector_load %arg4[%swap3A_344, %swap3A_345] {strides = array<i32>} : memref<224x256xf32, #tpu.memory_space<vmem>>, vector<1x16xf32>,
        %swap3A_347 = vector.shape_cast %swap3A_346 : vector<1x16xf32> to vector<16xf32>
        %swap3A_348 = vector.shape_cast %get3A_343 : vector<16xf32> to vector<1x16xf32>
        tpu.vector_store %arg4[%swap3A_344, %swap3A_345], %swap3A_348 {strides = array<i32>} : memref<224x256xf32, #tpu.memory_space<vmem>>, vector<1x16xf32>,
        %get3A_349 = arith.index_cast %scan3A_321 : i32 to index
        %get3A_350 = arith.constant 128 : index
        %get3A_351 = tpu.vector_load %arg4[%get3A_349, %get3A_350] {strides = array<i32>} : memref<224x256xf32, #tpu.memory_space<vmem>>, vector<1x16xf32>,
        %get3A_352 = vector.shape_cast %get3A_351 : vector<1x16xf32> to vector<16xf32>
        %swap3A_353 = arith.index_cast %scan3A_321 : i32 to index
        %swap3A_354 = arith.constant 64 : index
        %swap3A_355 = tpu.vector_load %arg4[%swap3A_353, %swap3A_354] {strides = array<i32>} : memref<224x256xf32, #tpu.memory_space<vmem>>, vector<1x16xf32>,
        %swap3A_356 = vector.shape_cast %swap3A_355 : vector<1x16xf32> to vector<16xf32>
        %swap3A_357 = vector.shape_cast %get3A_352 : vector<16xf32> to vector<1x16xf32>
        tpu.vector_store %arg4[%swap3A_353, %swap3A_354], %swap3A_357 {strides = array<i32>} : memref<224x256xf32, #tpu.memory_space<vmem>>, vector<1x16xf32>,
        %get3A_358 = arith.index_cast %scan3A_321 : i32 to index
        %get3A_359 = arith.constant 160 : index
        %get3A_360 = tpu.vector_load %arg4[%get3A_358, %get3A_359] {strides = array<i32>} : memref<224x256xf32, #tpu.memory_space<vmem>>, vector<1x16xf32>,
        %get3A_361 = vector.shape_cast %get3A_360 : vector<1x16xf32> to vector<16xf32>
        %swap3A_362 = arith.index_cast %scan3A_321 : i32 to index
        %swap3A_363 = arith.constant 80 : index
        %swap3A_364 = tpu.vector_load %arg4[%swap3A_362, %swap3A_363] {strides = array<i32>} : memref<224x256xf32, #tpu.memory_space<vmem>>, vector<1x16xf32>,
        %swap3A_365 = vector.shape_cast %swap3A_364 : vector<1x16xf32> to vector<16xf32>
        %swap3A_366 = vector.shape_cast %get3A_361 : vector<16xf32> to vector<1x16xf32>
        tpu.vector_store %arg4[%swap3A_362, %swap3A_363], %swap3A_366 {strides = array<i32>} : memref<224x256xf32, #tpu.memory_space<vmem>>, vector<1x16xf32>,
        %get3A_367 = arith.index_cast %scan3A_321 : i32 to index
        %get3A_368 = arith.constant 192 : index
        %get3A_369 = tpu.vector_load %arg4[%get3A_367, %get3A_368] {strides = array<i32>} : memref<224x256xf32, #tpu.memory_space<vmem>>, vector<1x16xf32>,
        %get3A_370 = vector.shape_cast %get3A_369 : vector<1x16xf32> to vector<16xf32>
        %swap3A_371 = arith.index_cast %scan3A_321 : i32 to index
        %swap3A_372 = arith.constant 96 : index
        %swap3A_373 = tpu.vector_load %arg4[%swap3A_371, %swap3A_372] {strides = array<i32>} : memref<224x256xf32, #tpu.memory_space<vmem>>, vector<1x16xf32>,
        %swap3A_374 = vector.shape_cast %swap3A_373 : vector<1x16xf32> to vector<16xf32>
        %swap3A_375 = vector.shape_cast %get3A_370 : vector<16xf32> to vector<1x16xf32>
        tpu.vector_store %arg4[%swap3A_371, %swap3A_372], %swap3A_375 {strides = array<i32>} : memref<224x256xf32, #tpu.memory_space<vmem>>, vector<1x16xf32>,
        %get3A_376 = arith.index_cast %scan3A_321 : i32 to index
        %get3A_377 = arith.constant 224 : index
        %get3A_378 = tpu.vector_load %arg4[%get3A_376, %get3A_377] {strides = array<i32>} : memref<224x256xf32, #tpu.memory_space<vmem>>, vector<1x16xf32>,
        %get3A_379 = vector.shape_cast %get3A_378 : vector<1x16xf32> to vector<16xf32>
        %swap3A_380 = arith.index_cast %scan3A_321 : i32 to index
        %swap3A_381 = arith.constant 112 : index
        %swap3A_382 = tpu.vector_load %arg4[%swap3A_380, %swap3A_381] {strides = array<i32>} : memref<224x256xf32, #tpu.memory_space<vmem>>, vector<1x16xf32>,
        %swap3A_383 = vector.shape_cast %swap3A_382 : vector<1x16xf32> to vector<16xf32>
        %swap3A_384 = vector.shape_cast %get3A_379 : vector<16xf32> to vector<1x16xf32>
        tpu.vector_store %arg4[%swap3A_380, %swap3A_381], %swap3A_384 {strides = array<i32>} : memref<224x256xf32, #tpu.memory_space<vmem>>, vector<1x16xf32>,
        %scan3A_385 = arith.constant 3 : i32
        %scan3A_386 = arith.addi %scan3A_193, %scan3A_385 : i32
        %get3A_387 = arith.index_cast %scan3A_386 : i32 to index
        %get3A_388 = arith.constant 32 : index
        %get3A_389 = tpu.vector_load %arg4[%get3A_387, %get3A_388] {strides = array<i32>} : memref<224x256xf32, #tpu.memory_space<vmem>>, vector<1x16xf32>,
        %get3A_390 = vector.shape_cast %get3A_389 : vector<1x16xf32> to vector<16xf32>
        %swap3A_391 = arith.index_cast %scan3A_386 : i32 to index
        %swap3A_392 = arith.constant 16 : index
        %swap3A_393 = tpu.vector_load %arg4[%swap3A_391, %swap3A_392] {strides = array<i32>} : memref<224x256xf32, #tpu.memory_space<vmem>>, vector<1x16xf32>,
        %swap3A_394 = vector.shape_cast %swap3A_393 : vector<1x16xf32> to vector<16xf32>
        %swap3A_395 = vector.shape_cast %get3A_390 : vector<16xf32> to vector<1x16xf32>
        tpu.vector_store %arg4[%swap3A_391, %swap3A_392], %swap3A_395 {strides = array<i32>} : memref<224x256xf32, #tpu.memory_space<vmem>>, vector<1x16xf32>,
        %get3A_396 = arith.index_cast %scan3A_386 : i32 to index
        %get3A_397 = arith.constant 64 : index
        %get3A_398 = tpu.vector_load %arg4[%get3A_396, %get3A_397] {strides = array<i32>} : memref<224x256xf32, #tpu.memory_space<vmem>>, vector<1x16xf32>,
        %get3A_399 = vector.shape_cast %get3A_398 : vector<1x16xf32> to vector<16xf32>
        %swap3A_400 = arith.index_cast %scan3A_386 : i32 to index
        %swap3A_401 = arith.constant 32 : index
        %swap3A_402 = tpu.vector_load %arg4[%swap3A_400, %swap3A_401] {strides = array<i32>} : memref<224x256xf32, #tpu.memory_space<vmem>>, vector<1x16xf32>,
        %swap3A_403 = vector.shape_cast %swap3A_402 : vector<1x16xf32> to vector<16xf32>
        %swap3A_404 = vector.shape_cast %get3A_399 : vector<16xf32> to vector<1x16xf32>
        tpu.vector_store %arg4[%swap3A_400, %swap3A_401], %swap3A_404 {strides = array<i32>} : memref<224x256xf32, #tpu.memory_space<vmem>>, vector<1x16xf32>,
        %get3A_405 = arith.index_cast %scan3A_386 : i32 to index
        %get3A_406 = arith.constant 96 : index
        %get3A_407 = tpu.vector_load %arg4[%get3A_405, %get3A_406] {strides = array<i32>} : memref<224x256xf32, #tpu.memory_space<vmem>>, vector<1x16xf32>,
        %get3A_408 = vector.shape_cast %get3A_407 : vector<1x16xf32> to vector<16xf32>
        %swap3A_409 = arith.index_cast %scan3A_386 : i32 to index
        %swap3A_410 = arith.constant 48 : index
        %swap3A_411 = tpu.vector_load %arg4[%swap3A_409, %swap3A_410] {strides = array<i32>} : memref<224x256xf32, #tpu.memory_space<vmem>>, vector<1x16xf32>,
        %swap3A_412 = vector.shape_cast %swap3A_411 : vector<1x16xf32> to vector<16xf32>
        %swap3A_413 = vector.shape_cast %get3A_408 : vector<16xf32> to vector<1x16xf32>
        tpu.vector_store %arg4[%swap3A_409, %swap3A_410], %swap3A_413 {strides = array<i32>} : memref<224x256xf32, #tpu.memory_space<vmem>>, vector<1x16xf32>,
        %get3A_414 = arith.index_cast %scan3A_386 : i32 to index
        %get3A_415 = arith.constant 128 : index
        %get3A_416 = tpu.vector_load %arg4[%get3A_414, %get3A_415] {strides = array<i32>} : memref<224x256xf32, #tpu.memory_space<vmem>>, vector<1x16xf32>,
        %get3A_417 = vector.shape_cast %get3A_416 : vector<1x16xf32> to vector<16xf32>
        %swap3A_418 = arith.index_cast %scan3A_386 : i32 to index
        %swap3A_419 = arith.constant 64 : index
        %swap3A_420 = tpu.vector_load %arg4[%swap3A_418, %swap3A_419] {strides = array<i32>} : memref<224x256xf32, #tpu.memory_space<vmem>>, vector<1x16xf32>,
        %swap3A_421 = vector.shape_cast %swap3A_420 : vector<1x16xf32> to vector<16xf32>
        %swap3A_422 = vector.shape_cast %get3A_417 : vector<16xf32> to vector<1x16xf32>
        tpu.vector_store %arg4[%swap3A_418, %swap3A_419], %swap3A_422 {strides = array<i32>} : memref<224x256xf32, #tpu.memory_space<vmem>>, vector<1x16xf32>,
        %get3A_423 = arith.index_cast %scan3A_386 : i32 to index
        %get3A_424 = arith.constant 160 : index
        %get3A_425 = tpu.vector_load %arg4[%get3A_423, %get3A_424] {strides = array<i32>} : memref<224x256xf32, #tpu.memory_space<vmem>>, vector<1x16xf32>,
        %get3A_426 = vector.shape_cast %get3A_425 : vector<1x16xf32> to vector<16xf32>
        %swap3A_427 = arith.index_cast %scan3A_386 : i32 to index
        %swap3A_428 = arith.constant 80 : index
        %swap3A_429 = tpu.vector_load %arg4[%swap3A_427, %swap3A_428] {strides = array<i32>} : memref<224x256xf32, #tpu.memory_space<vmem>>, vector<1x16xf32>,
        %swap3A_430 = vector.shape_cast %swap3A_429 : vector<1x16xf32> to vector<16xf32>
        %swap3A_431 = vector.shape_cast %get3A_426 : vector<16xf32> to vector<1x16xf32>
        tpu.vector_store %arg4[%swap3A_427, %swap3A_428], %swap3A_431 {strides = array<i32>} : memref<224x256xf32, #tpu.memory_space<vmem>>, vector<1x16xf32>,
        %get3A_432 = arith.index_cast %scan3A_386 : i32 to index
        %get3A_433 = arith.constant 192 : index
        %get3A_434 = tpu.vector_load %arg4[%get3A_432, %get3A_433] {strides = array<i32>} : memref<224x256xf32, #tpu.memory_space<vmem>>, vector<1x16xf32>,
        %get3A_435 = vector.shape_cast %get3A_434 : vector<1x16xf32> to vector<16xf32>
        %swap3A_436 = arith.index_cast %scan3A_386 : i32 to index
        %swap3A_437 = arith.constant 96 : index
        %swap3A_438 = tpu.vector_load %arg4[%swap3A_436, %swap3A_437] {strides = array<i32>} : memref<224x256xf32, #tpu.memory_space<vmem>>, vector<1x16xf32>,
        %swap3A_439 = vector.shape_cast %swap3A_438 : vector<1x16xf32> to vector<16xf32>
        %swap3A_440 = vector.shape_cast %get3A_435 : vector<16xf32> to vector<1x16xf32>
        tpu.vector_store %arg4[%swap3A_436, %swap3A_437], %swap3A_440 {strides = array<i32>} : memref<224x256xf32, #tpu.memory_space<vmem>>, vector<1x16xf32>,
        %get3A_441 = arith.index_cast %scan3A_386 : i32 to index
        %get3A_442 = arith.constant 224 : index
        %get3A_443 = tpu.vector_load %arg4[%get3A_441, %get3A_442] {strides = array<i32>} : memref<224x256xf32, #tpu.memory_space<vmem>>, vector<1x16xf32>,
        %get3A_444 = vector.shape_cast %get3A_443 : vector<1x16xf32> to vector<16xf32>
        %swap3A_445 = arith.index_cast %scan3A_386 : i32 to index
        %swap3A_446 = arith.constant 112 : index
        %swap3A_447 = tpu.vector_load %arg4[%swap3A_445, %swap3A_446] {strides = array<i32>} : memref<224x256xf32, #tpu.memory_space<vmem>>, vector<1x16xf32>,
        %swap3A_448 = vector.shape_cast %swap3A_447 : vector<1x16xf32> to vector<16xf32>
        %swap3A_449 = vector.shape_cast %get3A_444 : vector<16xf32> to vector<1x16xf32>
        tpu.vector_store %arg4[%swap3A_445, %swap3A_446], %swap3A_449 {strides = array<i32>} : memref<224x256xf32, #tpu.memory_space<vmem>>, vector<1x16xf32>,
        %scan3A_450 = arith.constant 4 : i32
        %scan3A_451 = arith.addi %scan3A_193, %scan3A_450 : i32
        %get3A_452 = arith.index_cast %scan3A_451 : i32 to index
        %get3A_453 = arith.constant 32 : index
        %get3A_454 = tpu.vector_load %arg4[%get3A_452, %get3A_453] {strides = array<i32>} : memref<224x256xf32, #tpu.memory_space<vmem>>, vector<1x16xf32>,
        %get3A_455 = vector.shape_cast %get3A_454 : vector<1x16xf32> to vector<16xf32>
        %swap3A_456 = arith.index_cast %scan3A_451 : i32 to index
        %swap3A_457 = arith.constant 16 : index
        %swap3A_458 = tpu.vector_load %arg4[%swap3A_456, %swap3A_457] {strides = array<i32>} : memref<224x256xf32, #tpu.memory_space<vmem>>, vector<1x16xf32>,
        %swap3A_459 = vector.shape_cast %swap3A_458 : vector<1x16xf32> to vector<16xf32>
        %swap3A_460 = vector.shape_cast %get3A_455 : vector<16xf32> to vector<1x16xf32>
        tpu.vector_store %arg4[%swap3A_456, %swap3A_457], %swap3A_460 {strides = array<i32>} : memref<224x256xf32, #tpu.memory_space<vmem>>, vector<1x16xf32>,
        %get3A_461 = arith.index_cast %scan3A_451 : i32 to index
        %get3A_462 = arith.constant 64 : index
        %get3A_463 = tpu.vector_load %arg4[%get3A_461, %get3A_462] {strides = array<i32>} : memref<224x256xf32, #tpu.memory_space<vmem>>, vector<1x16xf32>,
        %get3A_464 = vector.shape_cast %get3A_463 : vector<1x16xf32> to vector<16xf32>
        %swap3A_465 = arith.index_cast %scan3A_451 : i32 to index
        %swap3A_466 = arith.constant 32 : index
        %swap3A_467 = tpu.vector_load %arg4[%swap3A_465, %swap3A_466] {strides = array<i32>} : memref<224x256xf32, #tpu.memory_space<vmem>>, vector<1x16xf32>,
        %swap3A_468 = vector.shape_cast %swap3A_467 : vector<1x16xf32> to vector<16xf32>
        %swap3A_469 = vector.shape_cast %get3A_464 : vector<16xf32> to vector<1x16xf32>
        tpu.vector_store %arg4[%swap3A_465, %swap3A_466], %swap3A_469 {strides = array<i32>} : memref<224x256xf32, #tpu.memory_space<vmem>>, vector<1x16xf32>,
        %get3A_470 = arith.index_cast %scan3A_451 : i32 to index
        %get3A_471 = arith.constant 96 : index
        %get3A_472 = tpu.vector_load %arg4[%get3A_470, %get3A_471] {strides = array<i32>} : memref<224x256xf32, #tpu.memory_space<vmem>>, vector<1x16xf32>,
        %get3A_473 = vector.shape_cast %get3A_472 : vector<1x16xf32> to vector<16xf32>
        %swap3A_474 = arith.index_cast %scan3A_451 : i32 to index
        %swap3A_475 = arith.constant 48 : index
        %swap3A_476 = tpu.vector_load %arg4[%swap3A_474, %swap3A_475] {strides = array<i32>} : memref<224x256xf32, #tpu.memory_space<vmem>>, vector<1x16xf32>,
        %swap3A_477 = vector.shape_cast %swap3A_476 : vector<1x16xf32> to vector<16xf32>
        %swap3A_478 = vector.shape_cast %get3A_473 : vector<16xf32> to vector<1x16xf32>
        tpu.vector_store %arg4[%swap3A_474, %swap3A_475], %swap3A_478 {strides = array<i32>} : memref<224x256xf32, #tpu.memory_space<vmem>>, vector<1x16xf32>,
        %get3A_479 = arith.index_cast %scan3A_451 : i32 to index
        %get3A_480 = arith.constant 128 : index
        %get3A_481 = tpu.vector_load %arg4[%get3A_479, %get3A_480] {strides = array<i32>} : memref<224x256xf32, #tpu.memory_space<vmem>>, vector<1x16xf32>,
        %get3A_482 = vector.shape_cast %get3A_481 : vector<1x16xf32> to vector<16xf32>
        %swap3A_483 = arith.index_cast %scan3A_451 : i32 to index
        %swap3A_484 = arith.constant 64 : index
        %swap3A_485 = tpu.vector_load %arg4[%swap3A_483, %swap3A_484] {strides = array<i32>} : memref<224x256xf32, #tpu.memory_space<vmem>>, vector<1x16xf32>,
        %swap3A_486 = vector.shape_cast %swap3A_485 : vector<1x16xf32> to vector<16xf32>
        %swap3A_487 = vector.shape_cast %get3A_482 : vector<16xf32> to vector<1x16xf32>
        tpu.vector_store %arg4[%swap3A_483, %swap3A_484], %swap3A_487 {strides = array<i32>} : memref<224x256xf32, #tpu.memory_space<vmem>>, vector<1x16xf32>,
        %get3A_488 = arith.index_cast %scan3A_451 : i32 to index
        %get3A_489 = arith.constant 160 : index
        %get3A_490 = tpu.vector_load %arg4[%get3A_488, %get3A_489] {strides = array<i32>} : memref<224x256xf32, #tpu.memory_space<vmem>>, vector<1x16xf32>,
        %get3A_491 = vector.shape_cast %get3A_490 : vector<1x16xf32> to vector<16xf32>
        %swap3A_492 = arith.index_cast %scan3A_451 : i32 to index
        %swap3A_493 = arith.constant 80 : index
        %swap3A_494 = tpu.vector_load %arg4[%swap3A_492, %swap3A_493] {strides = array<i32>} : memref<224x256xf32, #tpu.memory_space<vmem>>, vector<1x16xf32>,
        %swap3A_495 = vector.shape_cast %swap3A_494 : vector<1x16xf32> to vector<16xf32>
        %swap3A_496 = vector.shape_cast %get3A_491 : vector<16xf32> to vector<1x16xf32>
        tpu.vector_store %arg4[%swap3A_492, %swap3A_493], %swap3A_496 {strides = array<i32>} : memref<224x256xf32, #tpu.memory_space<vmem>>, vector<1x16xf32>,
        %get3A_497 = arith.index_cast %scan3A_451 : i32 to index
        %get3A_498 = arith.constant 192 : index
        %get3A_499 = tpu.vector_load %arg4[%get3A_497, %get3A_498] {strides = array<i32>} : memref<224x256xf32, #tpu.memory_space<vmem>>, vector<1x16xf32>,
        %get3A_500 = vector.shape_cast %get3A_499 : vector<1x16xf32> to vector<16xf32>
        %swap3A_501 = arith.index_cast %scan3A_451 : i32 to index
        %swap3A_502 = arith.constant 96 : index
        %swap3A_503 = tpu.vector_load %arg4[%swap3A_501, %swap3A_502] {strides = array<i32>} : memref<224x256xf32, #tpu.memory_space<vmem>>, vector<1x16xf32>,
        %swap3A_504 = vector.shape_cast %swap3A_503 : vector<1x16xf32> to vector<16xf32>
        %swap3A_505 = vector.shape_cast %get3A_500 : vector<16xf32> to vector<1x16xf32>
        tpu.vector_store %arg4[%swap3A_501, %swap3A_502], %swap3A_505 {strides = array<i32>} : memref<224x256xf32, #tpu.memory_space<vmem>>, vector<1x16xf32>,
        %get3A_506 = arith.index_cast %scan3A_451 : i32 to index
        %get3A_507 = arith.constant 224 : index
        %get3A_508 = tpu.vector_load %arg4[%get3A_506, %get3A_507] {strides = array<i32>} : memref<224x256xf32, #tpu.memory_space<vmem>>, vector<1x16xf32>,
        %get3A_509 = vector.shape_cast %get3A_508 : vector<1x16xf32> to vector<16xf32>
        %swap3A_510 = arith.index_cast %scan3A_451 : i32 to index
        %swap3A_511 = arith.constant 112 : index
        %swap3A_512 = tpu.vector_load %arg4[%swap3A_510, %swap3A_511] {strides = array<i32>} : memref<224x256xf32, #tpu.memory_space<vmem>>, vector<1x16xf32>,
        %swap3A_513 = vector.shape_cast %swap3A_512 : vector<1x16xf32> to vector<16xf32>
        %swap3A_514 = vector.shape_cast %get3A_509 : vector<16xf32> to vector<1x16xf32>
        tpu.vector_store %arg4[%swap3A_510, %swap3A_511], %swap3A_514 {strides = array<i32>} : memref<224x256xf32, #tpu.memory_space<vmem>>, vector<1x16xf32>,
        %scan3A_515 = arith.constant 5 : i32
        %scan3A_516 = arith.addi %scan3A_193, %scan3A_515 : i32
        %get3A_517 = arith.index_cast %scan3A_516 : i32 to index
        %get3A_518 = arith.constant 32 : index
        %get3A_519 = tpu.vector_load %arg4[%get3A_517, %get3A_518] {strides = array<i32>} : memref<224x256xf32, #tpu.memory_space<vmem>>, vector<1x16xf32>,
        %get3A_520 = vector.shape_cast %get3A_519 : vector<1x16xf32> to vector<16xf32>
        %swap3A_521 = arith.index_cast %scan3A_516 : i32 to index
        %swap3A_522 = arith.constant 16 : index
        %swap3A_523 = tpu.vector_load %arg4[%swap3A_521, %swap3A_522] {strides = array<i32>} : memref<224x256xf32, #tpu.memory_space<vmem>>, vector<1x16xf32>,
        %swap3A_524 = vector.shape_cast %swap3A_523 : vector<1x16xf32> to vector<16xf32>
        %swap3A_525 = vector.shape_cast %get3A_520 : vector<16xf32> to vector<1x16xf32>
        tpu.vector_store %arg4[%swap3A_521, %swap3A_522], %swap3A_525 {strides = array<i32>} : memref<224x256xf32, #tpu.memory_space<vmem>>, vector<1x16xf32>,
        %get3A_526 = arith.index_cast %scan3A_516 : i32 to index
        %get3A_527 = arith.constant 64 : index
        %get3A_528 = tpu.vector_load %arg4[%get3A_526, %get3A_527] {strides = array<i32>} : memref<224x256xf32, #tpu.memory_space<vmem>>, vector<1x16xf32>,
        %get3A_529 = vector.shape_cast %get3A_528 : vector<1x16xf32> to vector<16xf32>
        %swap3A_530 = arith.index_cast %scan3A_516 : i32 to index
        %swap3A_531 = arith.constant 32 : index
        %swap3A_532 = tpu.vector_load %arg4[%swap3A_530, %swap3A_531] {strides = array<i32>} : memref<224x256xf32, #tpu.memory_space<vmem>>, vector<1x16xf32>,
        %swap3A_533 = vector.shape_cast %swap3A_532 : vector<1x16xf32> to vector<16xf32>
        %swap3A_534 = vector.shape_cast %get3A_529 : vector<16xf32> to vector<1x16xf32>
        tpu.vector_store %arg4[%swap3A_530, %swap3A_531], %swap3A_534 {strides = array<i32>} : memref<224x256xf32, #tpu.memory_space<vmem>>, vector<1x16xf32>,
        %get3A_535 = arith.index_cast %scan3A_516 : i32 to index
        %get3A_536 = arith.constant 96 : index
        %get3A_537 = tpu.vector_load %arg4[%get3A_535, %get3A_536] {strides = array<i32>} : memref<224x256xf32, #tpu.memory_space<vmem>>, vector<1x16xf32>,
        %get3A_538 = vector.shape_cast %get3A_537 : vector<1x16xf32> to vector<16xf32>
        %swap3A_539 = arith.index_cast %scan3A_516 : i32 to index
        %swap3A_540 = arith.constant 48 : index
        %swap3A_541 = tpu.vector_load %arg4[%swap3A_539, %swap3A_540] {strides = array<i32>} : memref<224x256xf32, #tpu.memory_space<vmem>>, vector<1x16xf32>,
        %swap3A_542 = vector.shape_cast %swap3A_541 : vector<1x16xf32> to vector<16xf32>
        %swap3A_543 = vector.shape_cast %get3A_538 : vector<16xf32> to vector<1x16xf32>
        tpu.vector_store %arg4[%swap3A_539, %swap3A_540], %swap3A_543 {strides = array<i32>} : memref<224x256xf32, #tpu.memory_space<vmem>>, vector<1x16xf32>,
        %get3A_544 = arith.index_cast %scan3A_516 : i32 to index
        %get3A_545 = arith.constant 128 : index
        %get3A_546 = tpu.vector_load %arg4[%get3A_544, %get3A_545] {strides = array<i32>} : memref<224x256xf32, #tpu.memory_space<vmem>>, vector<1x16xf32>,
        %get3A_547 = vector.shape_cast %get3A_546 : vector<1x16xf32> to vector<16xf32>
        %swap3A_548 = arith.index_cast %scan3A_516 : i32 to index
        %swap3A_549 = arith.constant 64 : index
        %swap3A_550 = tpu.vector_load %arg4[%swap3A_548, %swap3A_549] {strides = array<i32>} : memref<224x256xf32, #tpu.memory_space<vmem>>, vector<1x16xf32>,
        %swap3A_551 = vector.shape_cast %swap3A_550 : vector<1x16xf32> to vector<16xf32>
        %swap3A_552 = vector.shape_cast %get3A_547 : vector<16xf32> to vector<1x16xf32>
        tpu.vector_store %arg4[%swap3A_548, %swap3A_549], %swap3A_552 {strides = array<i32>} : memref<224x256xf32, #tpu.memory_space<vmem>>, vector<1x16xf32>,
        %get3A_553 = arith.index_cast %scan3A_516 : i32 to index
        %get3A_554 = arith.constant 160 : index
        %get3A_555 = tpu.vector_load %arg4[%get3A_553, %get3A_554] {strides = array<i32>} : memref<224x256xf32, #tpu.memory_space<vmem>>, vector<1x16xf32>,
        %get3A_556 = vector.shape_cast %get3A_555 : vector<1x16xf32> to vector<16xf32>
        %swap3A_557 = arith.index_cast %scan3A_516 : i32 to index
        %swap3A_558 = arith.constant 80 : index
        %swap3A_559 = tpu.vector_load %arg4[%swap3A_557, %swap3A_558] {strides = array<i32>} : memref<224x256xf32, #tpu.memory_space<vmem>>, vector<1x16xf32>,
        %swap3A_560 = vector.shape_cast %swap3A_559 : vector<1x16xf32> to vector<16xf32>
        %swap3A_561 = vector.shape_cast %get3A_556 : vector<16xf32> to vector<1x16xf32>
        tpu.vector_store %arg4[%swap3A_557, %swap3A_558], %swap3A_561 {strides = array<i32>} : memref<224x256xf32, #tpu.memory_space<vmem>>, vector<1x16xf32>,
        %get3A_562 = arith.index_cast %scan3A_516 : i32 to index
        %get3A_563 = arith.constant 192 : index
        %get3A_564 = tpu.vector_load %arg4[%get3A_562, %get3A_563] {strides = array<i32>} : memref<224x256xf32, #tpu.memory_space<vmem>>, vector<1x16xf32>,
        %get3A_565 = vector.shape_cast %get3A_564 : vector<1x16xf32> to vector<16xf32>
        %swap3A_566 = arith.index_cast %scan3A_516 : i32 to index
        %swap3A_567 = arith.constant 96 : index
        %swap3A_568 = tpu.vector_load %arg4[%swap3A_566, %swap3A_567] {strides = array<i32>} : memref<224x256xf32, #tpu.memory_space<vmem>>, vector<1x16xf32>,
        %swap3A_569 = vector.shape_cast %swap3A_568 : vector<1x16xf32> to vector<16xf32>
        %swap3A_570 = vector.shape_cast %get3A_565 : vector<16xf32> to vector<1x16xf32>
        tpu.vector_store %arg4[%swap3A_566, %swap3A_567], %swap3A_570 {strides = array<i32>} : memref<224x256xf32, #tpu.memory_space<vmem>>, vector<1x16xf32>,
        %get3A_571 = arith.index_cast %scan3A_516 : i32 to index
        %get3A_572 = arith.constant 224 : index
        %get3A_573 = tpu.vector_load %arg4[%get3A_571, %get3A_572] {strides = array<i32>} : memref<224x256xf32, #tpu.memory_space<vmem>>, vector<1x16xf32>,
        %get3A_574 = vector.shape_cast %get3A_573 : vector<1x16xf32> to vector<16xf32>
        %swap3A_575 = arith.index_cast %scan3A_516 : i32 to index
        %swap3A_576 = arith.constant 112 : index
        %swap3A_577 = tpu.vector_load %arg4[%swap3A_575, %swap3A_576] {strides = array<i32>} : memref<224x256xf32, #tpu.memory_space<vmem>>, vector<1x16xf32>,
        %swap3A_578 = vector.shape_cast %swap3A_577 : vector<1x16xf32> to vector<16xf32>
        %swap3A_579 = vector.shape_cast %get3A_574 : vector<16xf32> to vector<1x16xf32>
        tpu.vector_store %arg4[%swap3A_575, %swap3A_576], %swap3A_579 {strides = array<i32>} : memref<224x256xf32, #tpu.memory_space<vmem>>, vector<1x16xf32>,
        %scan3A_580 = arith.constant 6 : i32
        %scan3A_581 = arith.addi %scan3A_193, %scan3A_580 : i32
        %get3A_582 = arith.index_cast %scan3A_581 : i32 to index
        %get3A_583 = arith.constant 32 : index
        %get3A_584 = tpu.vector_load %arg4[%get3A_582, %get3A_583] {strides = array<i32>} : memref<224x256xf32, #tpu.memory_space<vmem>>, vector<1x16xf32>,
        %get3A_585 = vector.shape_cast %get3A_584 : vector<1x16xf32> to vector<16xf32>
        %swap3A_586 = arith.index_cast %scan3A_581 : i32 to index
        %swap3A_587 = arith.constant 16 : index
        %swap3A_588 = tpu.vector_load %arg4[%swap3A_586, %swap3A_587] {strides = array<i32>} : memref<224x256xf32, #tpu.memory_space<vmem>>, vector<1x16xf32>,
        %swap3A_589 = vector.shape_cast %swap3A_588 : vector<1x16xf32> to vector<16xf32>
        %swap3A_590 = vector.shape_cast %get3A_585 : vector<16xf32> to vector<1x16xf32>
        tpu.vector_store %arg4[%swap3A_586, %swap3A_587], %swap3A_590 {strides = array<i32>} : memref<224x256xf32, #tpu.memory_space<vmem>>, vector<1x16xf32>,
        %get3A_591 = arith.index_cast %scan3A_581 : i32 to index
        %get3A_592 = arith.constant 64 : index
        %get3A_593 = tpu.vector_load %arg4[%get3A_591, %get3A_592] {strides = array<i32>} : memref<224x256xf32, #tpu.memory_space<vmem>>, vector<1x16xf32>,
        %get3A_594 = vector.shape_cast %get3A_593 : vector<1x16xf32> to vector<16xf32>
        %swap3A_595 = arith.index_cast %scan3A_581 : i32 to index
        %swap3A_596 = arith.constant 32 : index
        %swap3A_597 = tpu.vector_load %arg4[%swap3A_595, %swap3A_596] {strides = array<i32>} : memref<224x256xf32, #tpu.memory_space<vmem>>, vector<1x16xf32>,
        %swap3A_598 = vector.shape_cast %swap3A_597 : vector<1x16xf32> to vector<16xf32>
        %swap3A_599 = vector.shape_cast %get3A_594 : vector<16xf32> to vector<1x16xf32>
        tpu.vector_store %arg4[%swap3A_595, %swap3A_596], %swap3A_599 {strides = array<i32>} : memref<224x256xf32, #tpu.memory_space<vmem>>, vector<1x16xf32>,
        %get3A_600 = arith.index_cast %scan3A_581 : i32 to index
        %get3A_601 = arith.constant 96 : index
        %get3A_602 = tpu.vector_load %arg4[%get3A_600, %get3A_601] {strides = array<i32>} : memref<224x256xf32, #tpu.memory_space<vmem>>, vector<1x16xf32>,
        %get3A_603 = vector.shape_cast %get3A_602 : vector<1x16xf32> to vector<16xf32>
        %swap3A_604 = arith.index_cast %scan3A_581 : i32 to index
        %swap3A_605 = arith.constant 48 : index
        %swap3A_606 = tpu.vector_load %arg4[%swap3A_604, %swap3A_605] {strides = array<i32>} : memref<224x256xf32, #tpu.memory_space<vmem>>, vector<1x16xf32>,
        %swap3A_607 = vector.shape_cast %swap3A_606 : vector<1x16xf32> to vector<16xf32>
        %swap3A_608 = vector.shape_cast %get3A_603 : vector<16xf32> to vector<1x16xf32>
        tpu.vector_store %arg4[%swap3A_604, %swap3A_605], %swap3A_608 {strides = array<i32>} : memref<224x256xf32, #tpu.memory_space<vmem>>, vector<1x16xf32>,
        %get3A_609 = arith.index_cast %scan3A_581 : i32 to index
        %get3A_610 = arith.constant 128 : index
        %get3A_611 = tpu.vector_load %arg4[%get3A_609, %get3A_610] {strides = array<i32>} : memref<224x256xf32, #tpu.memory_space<vmem>>, vector<1x16xf32>,
        %get3A_612 = vector.shape_cast %get3A_611 : vector<1x16xf32> to vector<16xf32>
        %swap3A_613 = arith.index_cast %scan3A_581 : i32 to index
        %swap3A_614 = arith.constant 64 : index
        %swap3A_615 = tpu.vector_load %arg4[%swap3A_613, %swap3A_614] {strides = array<i32>} : memref<224x256xf32, #tpu.memory_space<vmem>>, vector<1x16xf32>,
        %swap3A_616 = vector.shape_cast %swap3A_615 : vector<1x16xf32> to vector<16xf32>
        %swap3A_617 = vector.shape_cast %get3A_612 : vector<16xf32> to vector<1x16xf32>
        tpu.vector_store %arg4[%swap3A_613, %swap3A_614], %swap3A_617 {strides = array<i32>} : memref<224x256xf32, #tpu.memory_space<vmem>>, vector<1x16xf32>,
        %get3A_618 = arith.index_cast %scan3A_581 : i32 to index
        %get3A_619 = arith.constant 160 : index
        %get3A_620 = tpu.vector_load %arg4[%get3A_618, %get3A_619] {strides = array<i32>} : memref<224x256xf32, #tpu.memory_space<vmem>>, vector<1x16xf32>,
        %get3A_621 = vector.shape_cast %get3A_620 : vector<1x16xf32> to vector<16xf32>
        %swap3A_622 = arith.index_cast %scan3A_581 : i32 to index
        %swap3A_623 = arith.constant 80 : index
        %swap3A_624 = tpu.vector_load %arg4[%swap3A_622, %swap3A_623] {strides = array<i32>} : memref<224x256xf32, #tpu.memory_space<vmem>>, vector<1x16xf32>,
        %swap3A_625 = vector.shape_cast %swap3A_624 : vector<1x16xf32> to vector<16xf32>
        %swap3A_626 = vector.shape_cast %get3A_621 : vector<16xf32> to vector<1x16xf32>
        tpu.vector_store %arg4[%swap3A_622, %swap3A_623], %swap3A_626 {strides = array<i32>} : memref<224x256xf32, #tpu.memory_space<vmem>>, vector<1x16xf32>,
        %get3A_627 = arith.index_cast %scan3A_581 : i32 to index
        %get3A_628 = arith.constant 192 : index
        %get3A_629 = tpu.vector_load %arg4[%get3A_627, %get3A_628] {strides = array<i32>} : memref<224x256xf32, #tpu.memory_space<vmem>>, vector<1x16xf32>,
        %get3A_630 = vector.shape_cast %get3A_629 : vector<1x16xf32> to vector<16xf32>
        %swap3A_631 = arith.index_cast %scan3A_581 : i32 to index
        %swap3A_632 = arith.constant 96 : index
        %swap3A_633 = tpu.vector_load %arg4[%swap3A_631, %swap3A_632] {strides = array<i32>} : memref<224x256xf32, #tpu.memory_space<vmem>>, vector<1x16xf32>,
        %swap3A_634 = vector.shape_cast %swap3A_633 : vector<1x16xf32> to vector<16xf32>
        %swap3A_635 = vector.shape_cast %get3A_630 : vector<16xf32> to vector<1x16xf32>
        tpu.vector_store %arg4[%swap3A_631, %swap3A_632], %swap3A_635 {strides = array<i32>} : memref<224x256xf32, #tpu.memory_space<vmem>>, vector<1x16xf32>,
        %get3A_636 = arith.index_cast %scan3A_581 : i32 to index
        %get3A_637 = arith.constant 224 : index
        %get3A_638 = tpu.vector_load %arg4[%get3A_636, %get3A_637] {strides = array<i32>} : memref<224x256xf32, #tpu.memory_space<vmem>>, vector<1x16xf32>,
        %get3A_639 = vector.shape_cast %get3A_638 : vector<1x16xf32> to vector<16xf32>
        %swap3A_640 = arith.index_cast %scan3A_581 : i32 to index
        %swap3A_641 = arith.constant 112 : index
        %swap3A_642 = tpu.vector_load %arg4[%swap3A_640, %swap3A_641] {strides = array<i32>} : memref<224x256xf32, #tpu.memory_space<vmem>>, vector<1x16xf32>,
        %swap3A_643 = vector.shape_cast %swap3A_642 : vector<1x16xf32> to vector<16xf32>
        %swap3A_644 = vector.shape_cast %get3A_639 : vector<16xf32> to vector<1x16xf32>
        tpu.vector_store %arg4[%swap3A_640, %swap3A_641], %swap3A_644 {strides = array<i32>} : memref<224x256xf32, #tpu.memory_space<vmem>>, vector<1x16xf32>,
        %scan3A_645 = arith.constant 7 : i32
        %scan3A_646 = arith.addi %scan3A_193, %scan3A_645 : i32
        %get3A_647 = arith.index_cast %scan3A_646 : i32 to index
        %get3A_648 = arith.constant 32 : index
        %get3A_649 = tpu.vector_load %arg4[%get3A_647, %get3A_648] {strides = array<i32>} : memref<224x256xf32, #tpu.memory_space<vmem>>, vector<1x16xf32>,
        %get3A_650 = vector.shape_cast %get3A_649 : vector<1x16xf32> to vector<16xf32>
        %swap3A_651 = arith.index_cast %scan3A_646 : i32 to index
        %swap3A_652 = arith.constant 16 : index
        %swap3A_653 = tpu.vector_load %arg4[%swap3A_651, %swap3A_652] {strides = array<i32>} : memref<224x256xf32, #tpu.memory_space<vmem>>, vector<1x16xf32>,
        %swap3A_654 = vector.shape_cast %swap3A_653 : vector<1x16xf32> to vector<16xf32>
        %swap3A_655 = vector.shape_cast %get3A_650 : vector<16xf32> to vector<1x16xf32>
        tpu.vector_store %arg4[%swap3A_651, %swap3A_652], %swap3A_655 {strides = array<i32>} : memref<224x256xf32, #tpu.memory_space<vmem>>, vector<1x16xf32>,
        %get3A_656 = arith.index_cast %scan3A_646 : i32 to index
        %get3A_657 = arith.constant 64 : index
        %get3A_658 = tpu.vector_load %arg4[%get3A_656, %get3A_657] {strides = array<i32>} : memref<224x256xf32, #tpu.memory_space<vmem>>, vector<1x16xf32>,
        %get3A_659 = vector.shape_cast %get3A_658 : vector<1x16xf32> to vector<16xf32>
        %swap3A_660 = arith.index_cast %scan3A_646 : i32 to index
        %swap3A_661 = arith.constant 32 : index
        %swap3A_662 = tpu.vector_load %arg4[%swap3A_660, %swap3A_661] {strides = array<i32>} : memref<224x256xf32, #tpu.memory_space<vmem>>, vector<1x16xf32>,
        %swap3A_663 = vector.shape_cast %swap3A_662 : vector<1x16xf32> to vector<16xf32>
        %swap3A_664 = vector.shape_cast %get3A_659 : vector<16xf32> to vector<1x16xf32>
        tpu.vector_store %arg4[%swap3A_660, %swap3A_661], %swap3A_664 {strides = array<i32>} : memref<224x256xf32, #tpu.memory_space<vmem>>, vector<1x16xf32>,
        %get3A_665 = arith.index_cast %scan3A_646 : i32 to index
        %get3A_666 = arith.constant 96 : index
        %get3A_667 = tpu.vector_load %arg4[%get3A_665, %get3A_666] {strides = array<i32>} : memref<224x256xf32, #tpu.memory_space<vmem>>, vector<1x16xf32>,
        %get3A_668 = vector.shape_cast %get3A_667 : vector<1x16xf32> to vector<16xf32>
        %swap3A_669 = arith.index_cast %scan3A_646 : i32 to index
        %swap3A_670 = arith.constant 48 : index
        %swap3A_671 = tpu.vector_load %arg4[%swap3A_669, %swap3A_670] {strides = array<i32>} : memref<224x256xf32, #tpu.memory_space<vmem>>, vector<1x16xf32>,
        %swap3A_672 = vector.shape_cast %swap3A_671 : vector<1x16xf32> to vector<16xf32>
        %swap3A_673 = vector.shape_cast %get3A_668 : vector<16xf32> to vector<1x16xf32>
        tpu.vector_store %arg4[%swap3A_669, %swap3A_670], %swap3A_673 {strides = array<i32>} : memref<224x256xf32, #tpu.memory_space<vmem>>, vector<1x16xf32>,
        %get3A_674 = arith.index_cast %scan3A_646 : i32 to index
        %get3A_675 = arith.constant 128 : index
        %get3A_676 = tpu.vector_load %arg4[%get3A_674, %get3A_675] {strides = array<i32>} : memref<224x256xf32, #tpu.memory_space<vmem>>, vector<1x16xf32>,
        %get3A_677 = vector.shape_cast %get3A_676 : vector<1x16xf32> to vector<16xf32>
        %swap3A_678 = arith.index_cast %scan3A_646 : i32 to index
        %swap3A_679 = arith.constant 64 : index
        %swap3A_680 = tpu.vector_load %arg4[%swap3A_678, %swap3A_679] {strides = array<i32>} : memref<224x256xf32, #tpu.memory_space<vmem>>, vector<1x16xf32>,
        %swap3A_681 = vector.shape_cast %swap3A_680 : vector<1x16xf32> to vector<16xf32>
        %swap3A_682 = vector.shape_cast %get3A_677 : vector<16xf32> to vector<1x16xf32>
        tpu.vector_store %arg4[%swap3A_678, %swap3A_679], %swap3A_682 {strides = array<i32>} : memref<224x256xf32, #tpu.memory_space<vmem>>, vector<1x16xf32>,
        %get3A_683 = arith.index_cast %scan3A_646 : i32 to index
        %get3A_684 = arith.constant 160 : index
        %get3A_685 = tpu.vector_load %arg4[%get3A_683, %get3A_684] {strides = array<i32>} : memref<224x256xf32, #tpu.memory_space<vmem>>, vector<1x16xf32>,
        %get3A_686 = vector.shape_cast %get3A_685 : vector<1x16xf32> to vector<16xf32>
        %swap3A_687 = arith.index_cast %scan3A_646 : i32 to index
        %swap3A_688 = arith.constant 80 : index
        %swap3A_689 = tpu.vector_load %arg4[%swap3A_687, %swap3A_688] {strides = array<i32>} : memref<224x256xf32, #tpu.memory_space<vmem>>, vector<1x16xf32>,
        %swap3A_690 = vector.shape_cast %swap3A_689 : vector<1x16xf32> to vector<16xf32>
        %swap3A_691 = vector.shape_cast %get3A_686 : vector<16xf32> to vector<1x16xf32>
        tpu.vector_store %arg4[%swap3A_687, %swap3A_688], %swap3A_691 {strides = array<i32>} : memref<224x256xf32, #tpu.memory_space<vmem>>, vector<1x16xf32>,
        %get3A_692 = arith.index_cast %scan3A_646 : i32 to index
        %get3A_693 = arith.constant 192 : index
        %get3A_694 = tpu.vector_load %arg4[%get3A_692, %get3A_693] {strides = array<i32>} : memref<224x256xf32, #tpu.memory_space<vmem>>, vector<1x16xf32>,
        %get3A_695 = vector.shape_cast %get3A_694 : vector<1x16xf32> to vector<16xf32>
        %swap3A_696 = arith.index_cast %scan3A_646 : i32 to index
        %swap3A_697 = arith.constant 96 : index
        %swap3A_698 = tpu.vector_load %arg4[%swap3A_696, %swap3A_697] {strides = array<i32>} : memref<224x256xf32, #tpu.memory_space<vmem>>, vector<1x16xf32>,
        %swap3A_699 = vector.shape_cast %swap3A_698 : vector<1x16xf32> to vector<16xf32>
        %swap3A_700 = vector.shape_cast %get3A_695 : vector<16xf32> to vector<1x16xf32>
        tpu.vector_store %arg4[%swap3A_696, %swap3A_697], %swap3A_700 {strides = array<i32>} : memref<224x256xf32, #tpu.memory_space<vmem>>, vector<1x16xf32>,
        %get3A_701 = arith.index_cast %scan3A_646 : i32 to index
        %get3A_702 = arith.constant 224 : index
        %get3A_703 = tpu.vector_load %arg4[%get3A_701, %get3A_702] {strides = array<i32>} : memref<224x256xf32, #tpu.memory_space<vmem>>, vector<1x16xf32>,
        %get3A_704 = vector.shape_cast %get3A_703 : vector<1x16xf32> to vector<16xf32>
        %swap3A_705 = arith.index_cast %scan3A_646 : i32 to index
        %swap3A_706 = arith.constant 112 : index
        %swap3A_707 = tpu.vector_load %arg4[%swap3A_705, %swap3A_706] {strides = array<i32>} : memref<224x256xf32, #tpu.memory_space<vmem>>, vector<1x16xf32>,
        %swap3A_708 = vector.shape_cast %swap3A_707 : vector<1x16xf32> to vector<16xf32>
        %swap3A_709 = vector.shape_cast %get3A_704 : vector<16xf32> to vector<1x16xf32>
        tpu.vector_store %arg4[%swap3A_705, %swap3A_706], %swap3A_709 {strides = array<i32>} : memref<224x256xf32, #tpu.memory_space<vmem>>, vector<1x16xf32>,
      }
      %scan3A_119 = arith.constant 224 : i32
      %mul3A_120 = arith.constant 28 : i32
      %mul3A_121 = arith.muli %mul3A_90, %mul3A_120 : i32
      %add3A_122 = arith.addi %select_n3A, %mul3A_121 : i32
      %sub3A_123 = arith.constant 28 : i32
      %sub3A_124 = arith.subi %select_n3A_46, %sub3A_123 : i32
      %min3A_125 = arith.minsi %add3A_122, %sub3A_124 : i32
      %mul3A_126 = arith.constant 8 : i32
      %mul3A_127 = arith.muli %min3A_125, %mul3A_126 : i32
      %dma_start3A_128 = arith.constant 0 : i32
      %dma_start3A_129 = arith.constant 0 : i32
      %dma_start3A_130 = tpu.memref_slice %arg4[%dma_start3A_128, %dma_start3A_129] : memref<224x256xf32, #tpu.memory_space<vmem>> -> memref<224x128xf32, #tpu.memory_space<vmem>>
      %dma_start3A_131 = arith.constant 0 : i32
      %dma_start3A_132 = tpu.memref_slice %arg3[%mul3A_127, %dma_start3A_131] : memref<100000x128xf32, #tpu.memory_space<hbm>> -> memref<224x128xf32, #tpu.memory_space<hbm>>
      %dma_start3A_133 = arith.constant 0 : i32
      %dma_start3A_134 = tpu.memref_slice %arg3[%mul3A_127, %dma_start3A_133] : memref<100000x128xf32, #tpu.memory_space<hbm>> -> memref<224x128xf32, #tpu.memory_space<hbm>>
      %dma_start3A_135 = arith.constant 0 : i32
      %dma_start3A_136 = arith.constant 0 : i32
      %dma_start3A_137 = tpu.memref_slice %arg4[%dma_start3A_135, %dma_start3A_136] : memref<224x256xf32, #tpu.memory_space<vmem>> -> memref<224x128xf32, #tpu.memory_space<vmem>>
      tpu.enqueue_dma source(%dma_start3A_137 : memref<224x128xf32, #tpu.memory_space<vmem>>) target(%dma_start3A_134 : memref<224x128xf32, #tpu.memory_space<hbm>>) target_semaphore(%arg8 : memref<!tpu.dma_semaphore, #tpu.memory_space<semaphore_mem>>)
      %mul3A_138 = arith.constant 2 : i32
      %mul3A_139 = arith.muli %scan3A_88, %mul3A_138 : i32
      %add3A_140 = arith.constant 1 : i32
      %add3A_141 = arith.addi %mul3A_139, %add3A_140 : i32
      %mul3A_142 = arith.constant 28 : i32
      %mul3A_143 = arith.muli %add3A_141, %mul3A_142 : i32
      %add3A_144 = arith.addi %select_n3A, %mul3A_143 : i32
      %sub3A_145 = arith.constant 28 : i32
      %sub3A_146 = arith.subi %select_n3A_46, %sub3A_145 : i32
      %min3A_147 = arith.minsi %add3A_144, %sub3A_146 : i32
      %mul3A_148 = arith.constant 8 : i32
      %mul3A_149 = arith.muli %min3A_147, %mul3A_148 : i32
      %dma_wait3A_150 = arith.constant 0 : i32
      %dma_wait3A_151 = tpu.memref_slice %arg2[%mul3A_149, %dma_wait3A_150] : memref<100000x256xf32, #tpu.memory_space<hbm>> -> memref<224x256xf32, #tpu.memory_space<hbm>>
      %dma_wait3A_152 = arith.constant 0 : i32
      %dma_wait3A_153 = tpu.memref_slice %arg2[%mul3A_149, %dma_wait3A_152] : memref<100000x256xf32, #tpu.memory_space<hbm>> -> memref<224x256xf32, #tpu.memory_space<hbm>>
      tpu.wait_dma2 semaphore(%arg7 : memref<!tpu.dma_semaphore, #tpu.memory_space<semaphore_mem>>) src(%dma_wait3A_153 : memref<224x256xf32, #tpu.memory_space<hbm>>) dst(%arg5 : memref<224x256xf32, #tpu.memory_space<vmem>>)
      %ge3A_154 = arith.constant 1 : i32
      %ge3A_155 = arith.cmpi sge, %add3A_141, %ge3A_154 : i32
      %convert_element_type3A_156 = arith.extui %ge3A_155 : i1 to i32
      %cond3A_157 = arith.constant 0 : i32
      %cond3A_158 = arith.cmpi ne, %convert_element_type3A_156, %cond3A_157 : i32
      scf.if %cond3A_158 {
        %sub3A_193 = arith.constant 1 : i32
        %sub3A_194 = arith.subi %add3A_141, %sub3A_193 : i32
        %mul3A_195 = arith.constant 28 : i32
        %mul3A_196 = arith.muli %sub3A_194, %mul3A_195 : i32
        %add3A_197 = arith.addi %select_n3A, %mul3A_196 : i32
        %sub3A_198 = arith.constant 28 : i32
        %sub3A_199 = arith.subi %select_n3A_46, %sub3A_198 : i32
        %min3A_200 = arith.minsi %add3A_197, %sub3A_199 : i32
        %mul3A_201 = arith.constant 8 : i32
        %mul3A_202 = arith.muli %min3A_200, %mul3A_201 : i32
        %dma_wait3A_203 = arith.constant 0 : i32
        %dma_wait3A_204 = arith.constant 0 : i32
        %dma_wait3A_205 = tpu.memref_slice %arg4[%dma_wait3A_203, %dma_wait3A_204] : memref<224x256xf32, #tpu.memory_space<vmem>> -> memref<224x128xf32, #tpu.memory_space<vmem>>
        %dma_wait3A_206 = arith.constant 0 : i32
        %dma_wait3A_207 = tpu.memref_slice %arg3[%mul3A_202, %dma_wait3A_206] : memref<100000x128xf32, #tpu.memory_space<hbm>> -> memref<224x128xf32, #tpu.memory_space<hbm>>
        %dma_wait3A_208 = arith.constant 0 : i32
        %dma_wait3A_209 = tpu.memref_slice %arg3[%mul3A_202, %dma_wait3A_208] : memref<100000x128xf32, #tpu.memory_space<hbm>> -> memref<224x128xf32, #tpu.memory_space<hbm>>
        %dma_wait3A_210 = arith.constant 0 : i32
        %dma_wait3A_211 = arith.constant 0 : i32
        %dma_wait3A_212 = tpu.memref_slice %arg4[%dma_wait3A_210, %dma_wait3A_211] : memref<224x256xf32, #tpu.memory_space<vmem>> -> memref<224x128xf32, #tpu.memory_space<vmem>>
        tpu.wait_dma2 semaphore(%arg8 : memref<!tpu.dma_semaphore, #tpu.memory_space<semaphore_mem>>) src(%dma_wait3A_212 : memref<224x128xf32, #tpu.memory_space<vmem>>) dst(%dma_wait3A_209 : memref<224x128xf32, #tpu.memory_space<hbm>>)
      } else {
      }
      %ge3A_159 = arith.constant 1 : i32
      %ge3A_160 = arith.cmpi sge, %add3A_141, %ge3A_159 : i32
      %add3A_161 = arith.constant 1 : i32
      %add3A_162 = arith.addi %add3A_141, %add3A_161 : i32
      %lt3A_163 = arith.constant 14 : i32
      %lt3A_164 = arith.cmpi slt, %add3A_162, %lt3A_163 : i32
      %and3A_165 = arith.andi %ge3A_160, %lt3A_164 : i1
      %convert_element_type3A_166 = arith.extui %and3A_165 : i1 to i32
      %cond3A_167 = arith.constant 0 : i32
      %cond3A_168 = arith.cmpi ne, %convert_element_type3A_166, %cond3A_167 : i32
      scf.if %cond3A_168 {
        %add3A_193 = arith.constant 1 : i32
        %add3A_194 = arith.addi %add3A_141, %add3A_193 : i32
        %mul3A_195 = arith.constant 28 : i32
        %mul3A_196 = arith.muli %add3A_194, %mul3A_195 : i32
        %add3A_197 = arith.addi %select_n3A, %mul3A_196 : i32
        %sub3A_198 = arith.constant 28 : i32
        %sub3A_199 = arith.subi %select_n3A_46, %sub3A_198 : i32
        %min3A_200 = arith.minsi %add3A_197, %sub3A_199 : i32
        %mul3A_201 = arith.constant 8 : i32
        %mul3A_202 = arith.muli %min3A_200, %mul3A_201 : i32
        %dma_start3A_203 = arith.constant 0 : i32
        %dma_start3A_204 = tpu.memref_slice %arg2[%mul3A_202, %dma_start3A_203] : memref<100000x256xf32, #tpu.memory_space<hbm>> -> memref<224x256xf32, #tpu.memory_space<hbm>>
        %dma_start3A_205 = arith.constant 0 : i32
        %dma_start3A_206 = tpu.memref_slice %arg2[%mul3A_202, %dma_start3A_205] : memref<100000x256xf32, #tpu.memory_space<hbm>> -> memref<224x256xf32, #tpu.memory_space<hbm>>
        tpu.enqueue_dma source(%dma_start3A_206 : memref<224x256xf32, #tpu.memory_space<hbm>>) target(%arg4 : memref<224x256xf32, #tpu.memory_space<vmem>>) target_semaphore(%arg6 : memref<!tpu.dma_semaphore, #tpu.memory_space<semaphore_mem>>)
      } else {
      }
      %scan3A_169 = arith.constant 0 : i32
      %scan3A_170 = arith.constant 0 : i32
      %scan3A_171 = arith.constant 224 : i32
      %scan3A_172 = arith.addi %scan3A_170, %scan3A_171 : i32
      %scan3A_173 = arith.constant 8 : i32
      scf.for %scan3A_193 = %scan3A_170 to %scan3A_172 step %scan3A_173  : i32 {
        %get3A = arith.index_cast %scan3A_193 : i32 to index
        %get3A_194 = arith.constant 32 : index
        %get3A_195 = tpu.vector_load %arg5[%get3A, %get3A_194] {strides = array<i32>} : memref<224x256xf32, #tpu.memory_space<vmem>>, vector<1x16xf32>,
        %get3A_196 = vector.shape_cast %get3A_195 : vector<1x16xf32> to vector<16xf32>
        %swap3A = arith.index_cast %scan3A_193 : i32 to index
        %swap3A_197 = arith.constant 16 : index
        %swap3A_198 = tpu.vector_load %arg5[%swap3A, %swap3A_197] {strides = array<i32>} : memref<224x256xf32, #tpu.memory_space<vmem>>, vector<1x16xf32>,
        %swap3A_199 = vector.shape_cast %swap3A_198 : vector<1x16xf32> to vector<16xf32>
        %swap3A_200 = vector.shape_cast %get3A_196 : vector<16xf32> to vector<1x16xf32>
        tpu.vector_store %arg5[%swap3A, %swap3A_197], %swap3A_200 {strides = array<i32>} : memref<224x256xf32, #tpu.memory_space<vmem>>, vector<1x16xf32>,
        %get3A_201 = arith.index_cast %scan3A_193 : i32 to index
        %get3A_202 = arith.constant 64 : index
        %get3A_203 = tpu.vector_load %arg5[%get3A_201, %get3A_202] {strides = array<i32>} : memref<224x256xf32, #tpu.memory_space<vmem>>, vector<1x16xf32>,
        %get3A_204 = vector.shape_cast %get3A_203 : vector<1x16xf32> to vector<16xf32>
        %swap3A_205 = arith.index_cast %scan3A_193 : i32 to index
        %swap3A_206 = arith.constant 32 : index
        %swap3A_207 = tpu.vector_load %arg5[%swap3A_205, %swap3A_206] {strides = array<i32>} : memref<224x256xf32, #tpu.memory_space<vmem>>, vector<1x16xf32>,
        %swap3A_208 = vector.shape_cast %swap3A_207 : vector<1x16xf32> to vector<16xf32>
        %swap3A_209 = vector.shape_cast %get3A_204 : vector<16xf32> to vector<1x16xf32>
        tpu.vector_store %arg5[%swap3A_205, %swap3A_206], %swap3A_209 {strides = array<i32>} : memref<224x256xf32, #tpu.memory_space<vmem>>, vector<1x16xf32>,
        %get3A_210 = arith.index_cast %scan3A_193 : i32 to index
        %get3A_211 = arith.constant 96 : index
        %get3A_212 = tpu.vector_load %arg5[%get3A_210, %get3A_211] {strides = array<i32>} : memref<224x256xf32, #tpu.memory_space<vmem>>, vector<1x16xf32>,
        %get3A_213 = vector.shape_cast %get3A_212 : vector<1x16xf32> to vector<16xf32>
        %swap3A_214 = arith.index_cast %scan3A_193 : i32 to index
        %swap3A_215 = arith.constant 48 : index
        %swap3A_216 = tpu.vector_load %arg5[%swap3A_214, %swap3A_215] {strides = array<i32>} : memref<224x256xf32, #tpu.memory_space<vmem>>, vector<1x16xf32>,
        %swap3A_217 = vector.shape_cast %swap3A_216 : vector<1x16xf32> to vector<16xf32>
        %swap3A_218 = vector.shape_cast %get3A_213 : vector<16xf32> to vector<1x16xf32>
        tpu.vector_store %arg5[%swap3A_214, %swap3A_215], %swap3A_218 {strides = array<i32>} : memref<224x256xf32, #tpu.memory_space<vmem>>, vector<1x16xf32>,
        %get3A_219 = arith.index_cast %scan3A_193 : i32 to index
        %get3A_220 = arith.constant 128 : index
        %get3A_221 = tpu.vector_load %arg5[%get3A_219, %get3A_220] {strides = array<i32>} : memref<224x256xf32, #tpu.memory_space<vmem>>, vector<1x16xf32>,
        %get3A_222 = vector.shape_cast %get3A_221 : vector<1x16xf32> to vector<16xf32>
        %swap3A_223 = arith.index_cast %scan3A_193 : i32 to index
        %swap3A_224 = arith.constant 64 : index
        %swap3A_225 = tpu.vector_load %arg5[%swap3A_223, %swap3A_224] {strides = array<i32>} : memref<224x256xf32, #tpu.memory_space<vmem>>, vector<1x16xf32>,
        %swap3A_226 = vector.shape_cast %swap3A_225 : vector<1x16xf32> to vector<16xf32>
        %swap3A_227 = vector.shape_cast %get3A_222 : vector<16xf32> to vector<1x16xf32>
        tpu.vector_store %arg5[%swap3A_223, %swap3A_224], %swap3A_227 {strides = array<i32>} : memref<224x256xf32, #tpu.memory_space<vmem>>, vector<1x16xf32>,
        %get3A_228 = arith.index_cast %scan3A_193 : i32 to index
        %get3A_229 = arith.constant 160 : index
        %get3A_230 = tpu.vector_load %arg5[%get3A_228, %get3A_229] {strides = array<i32>} : memref<224x256xf32, #tpu.memory_space<vmem>>, vector<1x16xf32>,
        %get3A_231 = vector.shape_cast %get3A_230 : vector<1x16xf32> to vector<16xf32>
        %swap3A_232 = arith.index_cast %scan3A_193 : i32 to index
        %swap3A_233 = arith.constant 80 : index
        %swap3A_234 = tpu.vector_load %arg5[%swap3A_232, %swap3A_233] {strides = array<i32>} : memref<224x256xf32, #tpu.memory_space<vmem>>, vector<1x16xf32>,
        %swap3A_235 = vector.shape_cast %swap3A_234 : vector<1x16xf32> to vector<16xf32>
        %swap3A_236 = vector.shape_cast %get3A_231 : vector<16xf32> to vector<1x16xf32>
        tpu.vector_store %arg5[%swap3A_232, %swap3A_233], %swap3A_236 {strides = array<i32>} : memref<224x256xf32, #tpu.memory_space<vmem>>, vector<1x16xf32>,
        %get3A_237 = arith.index_cast %scan3A_193 : i32 to index
        %get3A_238 = arith.constant 192 : index
        %get3A_239 = tpu.vector_load %arg5[%get3A_237, %get3A_238] {strides = array<i32>} : memref<224x256xf32, #tpu.memory_space<vmem>>, vector<1x16xf32>,
        %get3A_240 = vector.shape_cast %get3A_239 : vector<1x16xf32> to vector<16xf32>
        %swap3A_241 = arith.index_cast %scan3A_193 : i32 to index
        %swap3A_242 = arith.constant 96 : index
        %swap3A_243 = tpu.vector_load %arg5[%swap3A_241, %swap3A_242] {strides = array<i32>} : memref<224x256xf32, #tpu.memory_space<vmem>>, vector<1x16xf32>,
        %swap3A_244 = vector.shape_cast %swap3A_243 : vector<1x16xf32> to vector<16xf32>
        %swap3A_245 = vector.shape_cast %get3A_240 : vector<16xf32> to vector<1x16xf32>
        tpu.vector_store %arg5[%swap3A_241, %swap3A_242], %swap3A_245 {strides = array<i32>} : memref<224x256xf32, #tpu.memory_space<vmem>>, vector<1x16xf32>,
        %get3A_246 = arith.index_cast %scan3A_193 : i32 to index
        %get3A_247 = arith.constant 224 : index
        %get3A_248 = tpu.vector_load %arg5[%get3A_246, %get3A_247] {strides = array<i32>} : memref<224x256xf32, #tpu.memory_space<vmem>>, vector<1x16xf32>,
        %get3A_249 = vector.shape_cast %get3A_248 : vector<1x16xf32> to vector<16xf32>
        %swap3A_250 = arith.index_cast %scan3A_193 : i32 to index
        %swap3A_251 = arith.constant 112 : index
        %swap3A_252 = tpu.vector_load %arg5[%swap3A_250, %swap3A_251] {strides = array<i32>} : memref<224x256xf32, #tpu.memory_space<vmem>>, vector<1x16xf32>,
        %swap3A_253 = vector.shape_cast %swap3A_252 : vector<1x16xf32> to vector<16xf32>
        %swap3A_254 = vector.shape_cast %get3A_249 : vector<16xf32> to vector<1x16xf32>
        tpu.vector_store %arg5[%swap3A_250, %swap3A_251], %swap3A_254 {strides = array<i32>} : memref<224x256xf32, #tpu.memory_space<vmem>>, vector<1x16xf32>,
        %scan3A_255 = arith.constant 1 : i32
        %scan3A_256 = arith.addi %scan3A_193, %scan3A_255 : i32
        %get3A_257 = arith.index_cast %scan3A_256 : i32 to index
        %get3A_258 = arith.constant 32 : index
        %get3A_259 = tpu.vector_load %arg5[%get3A_257, %get3A_258] {strides = array<i32>} : memref<224x256xf32, #tpu.memory_space<vmem>>, vector<1x16xf32>,
        %get3A_260 = vector.shape_cast %get3A_259 : vector<1x16xf32> to vector<16xf32>
        %swap3A_261 = arith.index_cast %scan3A_256 : i32 to index
        %swap3A_262 = arith.constant 16 : index
        %swap3A_263 = tpu.vector_load %arg5[%swap3A_261, %swap3A_262] {strides = array<i32>} : memref<224x256xf32, #tpu.memory_space<vmem>>, vector<1x16xf32>,
        %swap3A_264 = vector.shape_cast %swap3A_263 : vector<1x16xf32> to vector<16xf32>
        %swap3A_265 = vector.shape_cast %get3A_260 : vector<16xf32> to vector<1x16xf32>
        tpu.vector_store %arg5[%swap3A_261, %swap3A_262], %swap3A_265 {strides = array<i32>} : memref<224x256xf32, #tpu.memory_space<vmem>>, vector<1x16xf32>,
        %get3A_266 = arith.index_cast %scan3A_256 : i32 to index
        %get3A_267 = arith.constant 64 : index
        %get3A_268 = tpu.vector_load %arg5[%get3A_266, %get3A_267] {strides = array<i32>} : memref<224x256xf32, #tpu.memory_space<vmem>>, vector<1x16xf32>,
        %get3A_269 = vector.shape_cast %get3A_268 : vector<1x16xf32> to vector<16xf32>
        %swap3A_270 = arith.index_cast %scan3A_256 : i32 to index
        %swap3A_271 = arith.constant 32 : index
        %swap3A_272 = tpu.vector_load %arg5[%swap3A_270, %swap3A_271] {strides = array<i32>} : memref<224x256xf32, #tpu.memory_space<vmem>>, vector<1x16xf32>,
        %swap3A_273 = vector.shape_cast %swap3A_272 : vector<1x16xf32> to vector<16xf32>
        %swap3A_274 = vector.shape_cast %get3A_269 : vector<16xf32> to vector<1x16xf32>
        tpu.vector_store %arg5[%swap3A_270, %swap3A_271], %swap3A_274 {strides = array<i32>} : memref<224x256xf32, #tpu.memory_space<vmem>>, vector<1x16xf32>,
        %get3A_275 = arith.index_cast %scan3A_256 : i32 to index
        %get3A_276 = arith.constant 96 : index
        %get3A_277 = tpu.vector_load %arg5[%get3A_275, %get3A_276] {strides = array<i32>} : memref<224x256xf32, #tpu.memory_space<vmem>>, vector<1x16xf32>,
        %get3A_278 = vector.shape_cast %get3A_277 : vector<1x16xf32> to vector<16xf32>
        %swap3A_279 = arith.index_cast %scan3A_256 : i32 to index
        %swap3A_280 = arith.constant 48 : index
        %swap3A_281 = tpu.vector_load %arg5[%swap3A_279, %swap3A_280] {strides = array<i32>} : memref<224x256xf32, #tpu.memory_space<vmem>>, vector<1x16xf32>,
        %swap3A_282 = vector.shape_cast %swap3A_281 : vector<1x16xf32> to vector<16xf32>
        %swap3A_283 = vector.shape_cast %get3A_278 : vector<16xf32> to vector<1x16xf32>
        tpu.vector_store %arg5[%swap3A_279, %swap3A_280], %swap3A_283 {strides = array<i32>} : memref<224x256xf32, #tpu.memory_space<vmem>>, vector<1x16xf32>,
        %get3A_284 = arith.index_cast %scan3A_256 : i32 to index
        %get3A_285 = arith.constant 128 : index
        %get3A_286 = tpu.vector_load %arg5[%get3A_284, %get3A_285] {strides = array<i32>} : memref<224x256xf32, #tpu.memory_space<vmem>>, vector<1x16xf32>,
        %get3A_287 = vector.shape_cast %get3A_286 : vector<1x16xf32> to vector<16xf32>
        %swap3A_288 = arith.index_cast %scan3A_256 : i32 to index
        %swap3A_289 = arith.constant 64 : index
        %swap3A_290 = tpu.vector_load %arg5[%swap3A_288, %swap3A_289] {strides = array<i32>} : memref<224x256xf32, #tpu.memory_space<vmem>>, vector<1x16xf32>,
        %swap3A_291 = vector.shape_cast %swap3A_290 : vector<1x16xf32> to vector<16xf32>
        %swap3A_292 = vector.shape_cast %get3A_287 : vector<16xf32> to vector<1x16xf32>
        tpu.vector_store %arg5[%swap3A_288, %swap3A_289], %swap3A_292 {strides = array<i32>} : memref<224x256xf32, #tpu.memory_space<vmem>>, vector<1x16xf32>,
        %get3A_293 = arith.index_cast %scan3A_256 : i32 to index
        %get3A_294 = arith.constant 160 : index
        %get3A_295 = tpu.vector_load %arg5[%get3A_293, %get3A_294] {strides = array<i32>} : memref<224x256xf32, #tpu.memory_space<vmem>>, vector<1x16xf32>,
        %get3A_296 = vector.shape_cast %get3A_295 : vector<1x16xf32> to vector<16xf32>
        %swap3A_297 = arith.index_cast %scan3A_256 : i32 to index
        %swap3A_298 = arith.constant 80 : index
        %swap3A_299 = tpu.vector_load %arg5[%swap3A_297, %swap3A_298] {strides = array<i32>} : memref<224x256xf32, #tpu.memory_space<vmem>>, vector<1x16xf32>,
        %swap3A_300 = vector.shape_cast %swap3A_299 : vector<1x16xf32> to vector<16xf32>
        %swap3A_301 = vector.shape_cast %get3A_296 : vector<16xf32> to vector<1x16xf32>
        tpu.vector_store %arg5[%swap3A_297, %swap3A_298], %swap3A_301 {strides = array<i32>} : memref<224x256xf32, #tpu.memory_space<vmem>>, vector<1x16xf32>,
        %get3A_302 = arith.index_cast %scan3A_256 : i32 to index
        %get3A_303 = arith.constant 192 : index
        %get3A_304 = tpu.vector_load %arg5[%get3A_302, %get3A_303] {strides = array<i32>} : memref<224x256xf32, #tpu.memory_space<vmem>>, vector<1x16xf32>,
        %get3A_305 = vector.shape_cast %get3A_304 : vector<1x16xf32> to vector<16xf32>
        %swap3A_306 = arith.index_cast %scan3A_256 : i32 to index
        %swap3A_307 = arith.constant 96 : index
        %swap3A_308 = tpu.vector_load %arg5[%swap3A_306, %swap3A_307] {strides = array<i32>} : memref<224x256xf32, #tpu.memory_space<vmem>>, vector<1x16xf32>,
        %swap3A_309 = vector.shape_cast %swap3A_308 : vector<1x16xf32> to vector<16xf32>
        %swap3A_310 = vector.shape_cast %get3A_305 : vector<16xf32> to vector<1x16xf32>
        tpu.vector_store %arg5[%swap3A_306, %swap3A_307], %swap3A_310 {strides = array<i32>} : memref<224x256xf32, #tpu.memory_space<vmem>>, vector<1x16xf32>,
        %get3A_311 = arith.index_cast %scan3A_256 : i32 to index
        %get3A_312 = arith.constant 224 : index
        %get3A_313 = tpu.vector_load %arg5[%get3A_311, %get3A_312] {strides = array<i32>} : memref<224x256xf32, #tpu.memory_space<vmem>>, vector<1x16xf32>,
        %get3A_314 = vector.shape_cast %get3A_313 : vector<1x16xf32> to vector<16xf32>
        %swap3A_315 = arith.index_cast %scan3A_256 : i32 to index
        %swap3A_316 = arith.constant 112 : index
        %swap3A_317 = tpu.vector_load %arg5[%swap3A_315, %swap3A_316] {strides = array<i32>} : memref<224x256xf32, #tpu.memory_space<vmem>>, vector<1x16xf32>,
        %swap3A_318 = vector.shape_cast %swap3A_317 : vector<1x16xf32> to vector<16xf32>
        %swap3A_319 = vector.shape_cast %get3A_314 : vector<16xf32> to vector<1x16xf32>
        tpu.vector_store %arg5[%swap3A_315, %swap3A_316], %swap3A_319 {strides = array<i32>} : memref<224x256xf32, #tpu.memory_space<vmem>>, vector<1x16xf32>,
        %scan3A_320 = arith.constant 2 : i32
        %scan3A_321 = arith.addi %scan3A_193, %scan3A_320 : i32
        %get3A_322 = arith.index_cast %scan3A_321 : i32 to index
        %get3A_323 = arith.constant 32 : index
        %get3A_324 = tpu.vector_load %arg5[%get3A_322, %get3A_323] {strides = array<i32>} : memref<224x256xf32, #tpu.memory_space<vmem>>, vector<1x16xf32>,
        %get3A_325 = vector.shape_cast %get3A_324 : vector<1x16xf32> to vector<16xf32>
        %swap3A_326 = arith.index_cast %scan3A_321 : i32 to index
        %swap3A_327 = arith.constant 16 : index
        %swap3A_328 = tpu.vector_load %arg5[%swap3A_326, %swap3A_327] {strides = array<i32>} : memref<224x256xf32, #tpu.memory_space<vmem>>, vector<1x16xf32>,
        %swap3A_329 = vector.shape_cast %swap3A_328 : vector<1x16xf32> to vector<16xf32>
        %swap3A_330 = vector.shape_cast %get3A_325 : vector<16xf32> to vector<1x16xf32>
        tpu.vector_store %arg5[%swap3A_326, %swap3A_327], %swap3A_330 {strides = array<i32>} : memref<224x256xf32, #tpu.memory_space<vmem>>, vector<1x16xf32>,
        %get3A_331 = arith.index_cast %scan3A_321 : i32 to index
        %get3A_332 = arith.constant 64 : index
        %get3A_333 = tpu.vector_load %arg5[%get3A_331, %get3A_332] {strides = array<i32>} : memref<224x256xf32, #tpu.memory_space<vmem>>, vector<1x16xf32>,
        %get3A_334 = vector.shape_cast %get3A_333 : vector<1x16xf32> to vector<16xf32>
        %swap3A_335 = arith.index_cast %scan3A_321 : i32 to index
        %swap3A_336 = arith.constant 32 : index
        %swap3A_337 = tpu.vector_load %arg5[%swap3A_335, %swap3A_336] {strides = array<i32>} : memref<224x256xf32, #tpu.memory_space<vmem>>, vector<1x16xf32>,
        %swap3A_338 = vector.shape_cast %swap3A_337 : vector<1x16xf32> to vector<16xf32>
        %swap3A_339 = vector.shape_cast %get3A_334 : vector<16xf32> to vector<1x16xf32>
        tpu.vector_store %arg5[%swap3A_335, %swap3A_336], %swap3A_339 {strides = array<i32>} : memref<224x256xf32, #tpu.memory_space<vmem>>, vector<1x16xf32>,
        %get3A_340 = arith.index_cast %scan3A_321 : i32 to index
        %get3A_341 = arith.constant 96 : index
        %get3A_342 = tpu.vector_load %arg5[%get3A_340, %get3A_341] {strides = array<i32>} : memref<224x256xf32, #tpu.memory_space<vmem>>, vector<1x16xf32>,
        %get3A_343 = vector.shape_cast %get3A_342 : vector<1x16xf32> to vector<16xf32>
        %swap3A_344 = arith.index_cast %scan3A_321 : i32 to index
        %swap3A_345 = arith.constant 48 : index
        %swap3A_346 = tpu.vector_load %arg5[%swap3A_344, %swap3A_345] {strides = array<i32>} : memref<224x256xf32, #tpu.memory_space<vmem>>, vector<1x16xf32>,
        %swap3A_347 = vector.shape_cast %swap3A_346 : vector<1x16xf32> to vector<16xf32>
        %swap3A_348 = vector.shape_cast %get3A_343 : vector<16xf32> to vector<1x16xf32>
        tpu.vector_store %arg5[%swap3A_344, %swap3A_345], %swap3A_348 {strides = array<i32>} : memref<224x256xf32, #tpu.memory_space<vmem>>, vector<1x16xf32>,
        %get3A_349 = arith.index_cast %scan3A_321 : i32 to index
        %get3A_350 = arith.constant 128 : index
        %get3A_351 = tpu.vector_load %arg5[%get3A_349, %get3A_350] {strides = array<i32>} : memref<224x256xf32, #tpu.memory_space<vmem>>, vector<1x16xf32>,
        %get3A_352 = vector.shape_cast %get3A_351 : vector<1x16xf32> to vector<16xf32>
        %swap3A_353 = arith.index_cast %scan3A_321 : i32 to index
        %swap3A_354 = arith.constant 64 : index
        %swap3A_355 = tpu.vector_load %arg5[%swap3A_353, %swap3A_354] {strides = array<i32>} : memref<224x256xf32, #tpu.memory_space<vmem>>, vector<1x16xf32>,
        %swap3A_356 = vector.shape_cast %swap3A_355 : vector<1x16xf32> to vector<16xf32>
        %swap3A_357 = vector.shape_cast %get3A_352 : vector<16xf32> to vector<1x16xf32>
        tpu.vector_store %arg5[%swap3A_353, %swap3A_354], %swap3A_357 {strides = array<i32>} : memref<224x256xf32, #tpu.memory_space<vmem>>, vector<1x16xf32>,
        %get3A_358 = arith.index_cast %scan3A_321 : i32 to index
        %get3A_359 = arith.constant 160 : index
        %get3A_360 = tpu.vector_load %arg5[%get3A_358, %get3A_359] {strides = array<i32>} : memref<224x256xf32, #tpu.memory_space<vmem>>, vector<1x16xf32>,
        %get3A_361 = vector.shape_cast %get3A_360 : vector<1x16xf32> to vector<16xf32>
        %swap3A_362 = arith.index_cast %scan3A_321 : i32 to index
        %swap3A_363 = arith.constant 80 : index
        %swap3A_364 = tpu.vector_load %arg5[%swap3A_362, %swap3A_363] {strides = array<i32>} : memref<224x256xf32, #tpu.memory_space<vmem>>, vector<1x16xf32>,
        %swap3A_365 = vector.shape_cast %swap3A_364 : vector<1x16xf32> to vector<16xf32>
        %swap3A_366 = vector.shape_cast %get3A_361 : vector<16xf32> to vector<1x16xf32>
        tpu.vector_store %arg5[%swap3A_362, %swap3A_363], %swap3A_366 {strides = array<i32>} : memref<224x256xf32, #tpu.memory_space<vmem>>, vector<1x16xf32>,
        %get3A_367 = arith.index_cast %scan3A_321 : i32 to index
        %get3A_368 = arith.constant 192 : index
        %get3A_369 = tpu.vector_load %arg5[%get3A_367, %get3A_368] {strides = array<i32>} : memref<224x256xf32, #tpu.memory_space<vmem>>, vector<1x16xf32>,
        %get3A_370 = vector.shape_cast %get3A_369 : vector<1x16xf32> to vector<16xf32>
        %swap3A_371 = arith.index_cast %scan3A_321 : i32 to index
        %swap3A_372 = arith.constant 96 : index
        %swap3A_373 = tpu.vector_load %arg5[%swap3A_371, %swap3A_372] {strides = array<i32>} : memref<224x256xf32, #tpu.memory_space<vmem>>, vector<1x16xf32>,
        %swap3A_374 = vector.shape_cast %swap3A_373 : vector<1x16xf32> to vector<16xf32>
        %swap3A_375 = vector.shape_cast %get3A_370 : vector<16xf32> to vector<1x16xf32>
        tpu.vector_store %arg5[%swap3A_371, %swap3A_372], %swap3A_375 {strides = array<i32>} : memref<224x256xf32, #tpu.memory_space<vmem>>, vector<1x16xf32>,
        %get3A_376 = arith.index_cast %scan3A_321 : i32 to index
        %get3A_377 = arith.constant 224 : index
        %get3A_378 = tpu.vector_load %arg5[%get3A_376, %get3A_377] {strides = array<i32>} : memref<224x256xf32, #tpu.memory_space<vmem>>, vector<1x16xf32>,
        %get3A_379 = vector.shape_cast %get3A_378 : vector<1x16xf32> to vector<16xf32>
        %swap3A_380 = arith.index_cast %scan3A_321 : i32 to index
        %swap3A_381 = arith.constant 112 : index
        %swap3A_382 = tpu.vector_load %arg5[%swap3A_380, %swap3A_381] {strides = array<i32>} : memref<224x256xf32, #tpu.memory_space<vmem>>, vector<1x16xf32>,
        %swap3A_383 = vector.shape_cast %swap3A_382 : vector<1x16xf32> to vector<16xf32>
        %swap3A_384 = vector.shape_cast %get3A_379 : vector<16xf32> to vector<1x16xf32>
        tpu.vector_store %arg5[%swap3A_380, %swap3A_381], %swap3A_384 {strides = array<i32>} : memref<224x256xf32, #tpu.memory_space<vmem>>, vector<1x16xf32>,
        %scan3A_385 = arith.constant 3 : i32
        %scan3A_386 = arith.addi %scan3A_193, %scan3A_385 : i32
        %get3A_387 = arith.index_cast %scan3A_386 : i32 to index
        %get3A_388 = arith.constant 32 : index
        %get3A_389 = tpu.vector_load %arg5[%get3A_387, %get3A_388] {strides = array<i32>} : memref<224x256xf32, #tpu.memory_space<vmem>>, vector<1x16xf32>,
        %get3A_390 = vector.shape_cast %get3A_389 : vector<1x16xf32> to vector<16xf32>
        %swap3A_391 = arith.index_cast %scan3A_386 : i32 to index
        %swap3A_392 = arith.constant 16 : index
        %swap3A_393 = tpu.vector_load %arg5[%swap3A_391, %swap3A_392] {strides = array<i32>} : memref<224x256xf32, #tpu.memory_space<vmem>>, vector<1x16xf32>,
        %swap3A_394 = vector.shape_cast %swap3A_393 : vector<1x16xf32> to vector<16xf32>
        %swap3A_395 = vector.shape_cast %get3A_390 : vector<16xf32> to vector<1x16xf32>
        tpu.vector_store %arg5[%swap3A_391, %swap3A_392], %swap3A_395 {strides = array<i32>} : memref<224x256xf32, #tpu.memory_space<vmem>>, vector<1x16xf32>,
        %get3A_396 = arith.index_cast %scan3A_386 : i32 to index
        %get3A_397 = arith.constant 64 : index
        %get3A_398 = tpu.vector_load %arg5[%get3A_396, %get3A_397] {strides = array<i32>} : memref<224x256xf32, #tpu.memory_space<vmem>>, vector<1x16xf32>,
        %get3A_399 = vector.shape_cast %get3A_398 : vector<1x16xf32> to vector<16xf32>
        %swap3A_400 = arith.index_cast %scan3A_386 : i32 to index
        %swap3A_401 = arith.constant 32 : index
        %swap3A_402 = tpu.vector_load %arg5[%swap3A_400, %swap3A_401] {strides = array<i32>} : memref<224x256xf32, #tpu.memory_space<vmem>>, vector<1x16xf32>,
        %swap3A_403 = vector.shape_cast %swap3A_402 : vector<1x16xf32> to vector<16xf32>
        %swap3A_404 = vector.shape_cast %get3A_399 : vector<16xf32> to vector<1x16xf32>
        tpu.vector_store %arg5[%swap3A_400, %swap3A_401], %swap3A_404 {strides = array<i32>} : memref<224x256xf32, #tpu.memory_space<vmem>>, vector<1x16xf32>,
        %get3A_405 = arith.index_cast %scan3A_386 : i32 to index
        %get3A_406 = arith.constant 96 : index
        %get3A_407 = tpu.vector_load %arg5[%get3A_405, %get3A_406] {strides = array<i32>} : memref<224x256xf32, #tpu.memory_space<vmem>>, vector<1x16xf32>,
        %get3A_408 = vector.shape_cast %get3A_407 : vector<1x16xf32> to vector<16xf32>
        %swap3A_409 = arith.index_cast %scan3A_386 : i32 to index
        %swap3A_410 = arith.constant 48 : index
        %swap3A_411 = tpu.vector_load %arg5[%swap3A_409, %swap3A_410] {strides = array<i32>} : memref<224x256xf32, #tpu.memory_space<vmem>>, vector<1x16xf32>,
        %swap3A_412 = vector.shape_cast %swap3A_411 : vector<1x16xf32> to vector<16xf32>
        %swap3A_413 = vector.shape_cast %get3A_408 : vector<16xf32> to vector<1x16xf32>
        tpu.vector_store %arg5[%swap3A_409, %swap3A_410], %swap3A_413 {strides = array<i32>} : memref<224x256xf32, #tpu.memory_space<vmem>>, vector<1x16xf32>,
        %get3A_414 = arith.index_cast %scan3A_386 : i32 to index
        %get3A_415 = arith.constant 128 : index
        %get3A_416 = tpu.vector_load %arg5[%get3A_414, %get3A_415] {strides = array<i32>} : memref<224x256xf32, #tpu.memory_space<vmem>>, vector<1x16xf32>,
        %get3A_417 = vector.shape_cast %get3A_416 : vector<1x16xf32> to vector<16xf32>
        %swap3A_418 = arith.index_cast %scan3A_386 : i32 to index
        %swap3A_419 = arith.constant 64 : index
        %swap3A_420 = tpu.vector_load %arg5[%swap3A_418, %swap3A_419] {strides = array<i32>} : memref<224x256xf32, #tpu.memory_space<vmem>>, vector<1x16xf32>,
        %swap3A_421 = vector.shape_cast %swap3A_420 : vector<1x16xf32> to vector<16xf32>
        %swap3A_422 = vector.shape_cast %get3A_417 : vector<16xf32> to vector<1x16xf32>
        tpu.vector_store %arg5[%swap3A_418, %swap3A_419], %swap3A_422 {strides = array<i32>} : memref<224x256xf32, #tpu.memory_space<vmem>>, vector<1x16xf32>,
        %get3A_423 = arith.index_cast %scan3A_386 : i32 to index
        %get3A_424 = arith.constant 160 : index
        %get3A_425 = tpu.vector_load %arg5[%get3A_423, %get3A_424] {strides = array<i32>} : memref<224x256xf32, #tpu.memory_space<vmem>>, vector<1x16xf32>,
        %get3A_426 = vector.shape_cast %get3A_425 : vector<1x16xf32> to vector<16xf32>
        %swap3A_427 = arith.index_cast %scan3A_386 : i32 to index
        %swap3A_428 = arith.constant 80 : index
        %swap3A_429 = tpu.vector_load %arg5[%swap3A_427, %swap3A_428] {strides = array<i32>} : memref<224x256xf32, #tpu.memory_space<vmem>>, vector<1x16xf32>,
        %swap3A_430 = vector.shape_cast %swap3A_429 : vector<1x16xf32> to vector<16xf32>
        %swap3A_431 = vector.shape_cast %get3A_426 : vector<16xf32> to vector<1x16xf32>
        tpu.vector_store %arg5[%swap3A_427, %swap3A_428], %swap3A_431 {strides = array<i32>} : memref<224x256xf32, #tpu.memory_space<vmem>>, vector<1x16xf32>,
        %get3A_432 = arith.index_cast %scan3A_386 : i32 to index
        %get3A_433 = arith.constant 192 : index
        %get3A_434 = tpu.vector_load %arg5[%get3A_432, %get3A_433] {strides = array<i32>} : memref<224x256xf32, #tpu.memory_space<vmem>>, vector<1x16xf32>,
        %get3A_435 = vector.shape_cast %get3A_434 : vector<1x16xf32> to vector<16xf32>
        %swap3A_436 = arith.index_cast %scan3A_386 : i32 to index
        %swap3A_437 = arith.constant 96 : index
        %swap3A_438 = tpu.vector_load %arg5[%swap3A_436, %swap3A_437] {strides = array<i32>} : memref<224x256xf32, #tpu.memory_space<vmem>>, vector<1x16xf32>,
        %swap3A_439 = vector.shape_cast %swap3A_438 : vector<1x16xf32> to vector<16xf32>
        %swap3A_440 = vector.shape_cast %get3A_435 : vector<16xf32> to vector<1x16xf32>
        tpu.vector_store %arg5[%swap3A_436, %swap3A_437], %swap3A_440 {strides = array<i32>} : memref<224x256xf32, #tpu.memory_space<vmem>>, vector<1x16xf32>,
        %get3A_441 = arith.index_cast %scan3A_386 : i32 to index
        %get3A_442 = arith.constant 224 : index
        %get3A_443 = tpu.vector_load %arg5[%get3A_441, %get3A_442] {strides = array<i32>} : memref<224x256xf32, #tpu.memory_space<vmem>>, vector<1x16xf32>,
        %get3A_444 = vector.shape_cast %get3A_443 : vector<1x16xf32> to vector<16xf32>
        %swap3A_445 = arith.index_cast %scan3A_386 : i32 to index
        %swap3A_446 = arith.constant 112 : index
        %swap3A_447 = tpu.vector_load %arg5[%swap3A_445, %swap3A_446] {strides = array<i32>} : memref<224x256xf32, #tpu.memory_space<vmem>>, vector<1x16xf32>,
        %swap3A_448 = vector.shape_cast %swap3A_447 : vector<1x16xf32> to vector<16xf32>
        %swap3A_449 = vector.shape_cast %get3A_444 : vector<16xf32> to vector<1x16xf32>
        tpu.vector_store %arg5[%swap3A_445, %swap3A_446], %swap3A_449 {strides = array<i32>} : memref<224x256xf32, #tpu.memory_space<vmem>>, vector<1x16xf32>,
        %scan3A_450 = arith.constant 4 : i32
        %scan3A_451 = arith.addi %scan3A_193, %scan3A_450 : i32
        %get3A_452 = arith.index_cast %scan3A_451 : i32 to index
        %get3A_453 = arith.constant 32 : index
        %get3A_454 = tpu.vector_load %arg5[%get3A_452, %get3A_453] {strides = array<i32>} : memref<224x256xf32, #tpu.memory_space<vmem>>, vector<1x16xf32>,
        %get3A_455 = vector.shape_cast %get3A_454 : vector<1x16xf32> to vector<16xf32>
        %swap3A_456 = arith.index_cast %scan3A_451 : i32 to index
        %swap3A_457 = arith.constant 16 : index
        %swap3A_458 = tpu.vector_load %arg5[%swap3A_456, %swap3A_457] {strides = array<i32>} : memref<224x256xf32, #tpu.memory_space<vmem>>, vector<1x16xf32>,
        %swap3A_459 = vector.shape_cast %swap3A_458 : vector<1x16xf32> to vector<16xf32>
        %swap3A_460 = vector.shape_cast %get3A_455 : vector<16xf32> to vector<1x16xf32>
        tpu.vector_store %arg5[%swap3A_456, %swap3A_457], %swap3A_460 {strides = array<i32>} : memref<224x256xf32, #tpu.memory_space<vmem>>, vector<1x16xf32>,
        %get3A_461 = arith.index_cast %scan3A_451 : i32 to index
        %get3A_462 = arith.constant 64 : index
        %get3A_463 = tpu.vector_load %arg5[%get3A_461, %get3A_462] {strides = array<i32>} : memref<224x256xf32, #tpu.memory_space<vmem>>, vector<1x16xf32>,
        %get3A_464 = vector.shape_cast %get3A_463 : vector<1x16xf32> to vector<16xf32>
        %swap3A_465 = arith.index_cast %scan3A_451 : i32 to index
        %swap3A_466 = arith.constant 32 : index
        %swap3A_467 = tpu.vector_load %arg5[%swap3A_465, %swap3A_466] {strides = array<i32>} : memref<224x256xf32, #tpu.memory_space<vmem>>, vector<1x16xf32>,
        %swap3A_468 = vector.shape_cast %swap3A_467 : vector<1x16xf32> to vector<16xf32>
        %swap3A_469 = vector.shape_cast %get3A_464 : vector<16xf32> to vector<1x16xf32>
        tpu.vector_store %arg5[%swap3A_465, %swap3A_466], %swap3A_469 {strides = array<i32>} : memref<224x256xf32, #tpu.memory_space<vmem>>, vector<1x16xf32>,
        %get3A_470 = arith.index_cast %scan3A_451 : i32 to index
        %get3A_471 = arith.constant 96 : index
        %get3A_472 = tpu.vector_load %arg5[%get3A_470, %get3A_471] {strides = array<i32>} : memref<224x256xf32, #tpu.memory_space<vmem>>, vector<1x16xf32>,
        %get3A_473 = vector.shape_cast %get3A_472 : vector<1x16xf32> to vector<16xf32>
        %swap3A_474 = arith.index_cast %scan3A_451 : i32 to index
        %swap3A_475 = arith.constant 48 : index
        %swap3A_476 = tpu.vector_load %arg5[%swap3A_474, %swap3A_475] {strides = array<i32>} : memref<224x256xf32, #tpu.memory_space<vmem>>, vector<1x16xf32>,
        %swap3A_477 = vector.shape_cast %swap3A_476 : vector<1x16xf32> to vector<16xf32>
        %swap3A_478 = vector.shape_cast %get3A_473 : vector<16xf32> to vector<1x16xf32>
        tpu.vector_store %arg5[%swap3A_474, %swap3A_475], %swap3A_478 {strides = array<i32>} : memref<224x256xf32, #tpu.memory_space<vmem>>, vector<1x16xf32>,
        %get3A_479 = arith.index_cast %scan3A_451 : i32 to index
        %get3A_480 = arith.constant 128 : index
        %get3A_481 = tpu.vector_load %arg5[%get3A_479, %get3A_480] {strides = array<i32>} : memref<224x256xf32, #tpu.memory_space<vmem>>, vector<1x16xf32>,
        %get3A_482 = vector.shape_cast %get3A_481 : vector<1x16xf32> to vector<16xf32>
        %swap3A_483 = arith.index_cast %scan3A_451 : i32 to index
        %swap3A_484 = arith.constant 64 : index
        %swap3A_485 = tpu.vector_load %arg5[%swap3A_483, %swap3A_484] {strides = array<i32>} : memref<224x256xf32, #tpu.memory_space<vmem>>, vector<1x16xf32>,
        %swap3A_486 = vector.shape_cast %swap3A_485 : vector<1x16xf32> to vector<16xf32>
        %swap3A_487 = vector.shape_cast %get3A_482 : vector<16xf32> to vector<1x16xf32>
        tpu.vector_store %arg5[%swap3A_483, %swap3A_484], %swap3A_487 {strides = array<i32>} : memref<224x256xf32, #tpu.memory_space<vmem>>, vector<1x16xf32>,
        %get3A_488 = arith.index_cast %scan3A_451 : i32 to index
        %get3A_489 = arith.constant 160 : index
        %get3A_490 = tpu.vector_load %arg5[%get3A_488, %get3A_489] {strides = array<i32>} : memref<224x256xf32, #tpu.memory_space<vmem>>, vector<1x16xf32>,
        %get3A_491 = vector.shape_cast %get3A_490 : vector<1x16xf32> to vector<16xf32>
        %swap3A_492 = arith.index_cast %scan3A_451 : i32 to index
        %swap3A_493 = arith.constant 80 : index
        %swap3A_494 = tpu.vector_load %arg5[%swap3A_492, %swap3A_493] {strides = array<i32>} : memref<224x256xf32, #tpu.memory_space<vmem>>, vector<1x16xf32>,
        %swap3A_495 = vector.shape_cast %swap3A_494 : vector<1x16xf32> to vector<16xf32>
        %swap3A_496 = vector.shape_cast %get3A_491 : vector<16xf32> to vector<1x16xf32>
        tpu.vector_store %arg5[%swap3A_492, %swap3A_493], %swap3A_496 {strides = array<i32>} : memref<224x256xf32, #tpu.memory_space<vmem>>, vector<1x16xf32>,
        %get3A_497 = arith.index_cast %scan3A_451 : i32 to index
        %get3A_498 = arith.constant 192 : index
        %get3A_499 = tpu.vector_load %arg5[%get3A_497, %get3A_498] {strides = array<i32>} : memref<224x256xf32, #tpu.memory_space<vmem>>, vector<1x16xf32>,
        %get3A_500 = vector.shape_cast %get3A_499 : vector<1x16xf32> to vector<16xf32>
        %swap3A_501 = arith.index_cast %scan3A_451 : i32 to index
        %swap3A_502 = arith.constant 96 : index
        %swap3A_503 = tpu.vector_load %arg5[%swap3A_501, %swap3A_502] {strides = array<i32>} : memref<224x256xf32, #tpu.memory_space<vmem>>, vector<1x16xf32>,
        %swap3A_504 = vector.shape_cast %swap3A_503 : vector<1x16xf32> to vector<16xf32>
        %swap3A_505 = vector.shape_cast %get3A_500 : vector<16xf32> to vector<1x16xf32>
        tpu.vector_store %arg5[%swap3A_501, %swap3A_502], %swap3A_505 {strides = array<i32>} : memref<224x256xf32, #tpu.memory_space<vmem>>, vector<1x16xf32>,
        %get3A_506 = arith.index_cast %scan3A_451 : i32 to index
        %get3A_507 = arith.constant 224 : index
        %get3A_508 = tpu.vector_load %arg5[%get3A_506, %get3A_507] {strides = array<i32>} : memref<224x256xf32, #tpu.memory_space<vmem>>, vector<1x16xf32>,
        %get3A_509 = vector.shape_cast %get3A_508 : vector<1x16xf32> to vector<16xf32>
        %swap3A_510 = arith.index_cast %scan3A_451 : i32 to index
        %swap3A_511 = arith.constant 112 : index
        %swap3A_512 = tpu.vector_load %arg5[%swap3A_510, %swap3A_511] {strides = array<i32>} : memref<224x256xf32, #tpu.memory_space<vmem>>, vector<1x16xf32>,
        %swap3A_513 = vector.shape_cast %swap3A_512 : vector<1x16xf32> to vector<16xf32>
        %swap3A_514 = vector.shape_cast %get3A_509 : vector<16xf32> to vector<1x16xf32>
        tpu.vector_store %arg5[%swap3A_510, %swap3A_511], %swap3A_514 {strides = array<i32>} : memref<224x256xf32, #tpu.memory_space<vmem>>, vector<1x16xf32>,
        %scan3A_515 = arith.constant 5 : i32
        %scan3A_516 = arith.addi %scan3A_193, %scan3A_515 : i32
        %get3A_517 = arith.index_cast %scan3A_516 : i32 to index
        %get3A_518 = arith.constant 32 : index
        %get3A_519 = tpu.vector_load %arg5[%get3A_517, %get3A_518] {strides = array<i32>} : memref<224x256xf32, #tpu.memory_space<vmem>>, vector<1x16xf32>,
        %get3A_520 = vector.shape_cast %get3A_519 : vector<1x16xf32> to vector<16xf32>
        %swap3A_521 = arith.index_cast %scan3A_516 : i32 to index
        %swap3A_522 = arith.constant 16 : index
        %swap3A_523 = tpu.vector_load %arg5[%swap3A_521, %swap3A_522] {strides = array<i32>} : memref<224x256xf32, #tpu.memory_space<vmem>>, vector<1x16xf32>,
        %swap3A_524 = vector.shape_cast %swap3A_523 : vector<1x16xf32> to vector<16xf32>
        %swap3A_525 = vector.shape_cast %get3A_520 : vector<16xf32> to vector<1x16xf32>
        tpu.vector_store %arg5[%swap3A_521, %swap3A_522], %swap3A_525 {strides = array<i32>} : memref<224x256xf32, #tpu.memory_space<vmem>>, vector<1x16xf32>,
        %get3A_526 = arith.index_cast %scan3A_516 : i32 to index
        %get3A_527 = arith.constant 64 : index
        %get3A_528 = tpu.vector_load %arg5[%get3A_526, %get3A_527] {strides = array<i32>} : memref<224x256xf32, #tpu.memory_space<vmem>>, vector<1x16xf32>,
        %get3A_529 = vector.shape_cast %get3A_528 : vector<1x16xf32> to vector<16xf32>
        %swap3A_530 = arith.index_cast %scan3A_516 : i32 to index
        %swap3A_531 = arith.constant 32 : index
        %swap3A_532 = tpu.vector_load %arg5[%swap3A_530, %swap3A_531] {strides = array<i32>} : memref<224x256xf32, #tpu.memory_space<vmem>>, vector<1x16xf32>,
        %swap3A_533 = vector.shape_cast %swap3A_532 : vector<1x16xf32> to vector<16xf32>
        %swap3A_534 = vector.shape_cast %get3A_529 : vector<16xf32> to vector<1x16xf32>
        tpu.vector_store %arg5[%swap3A_530, %swap3A_531], %swap3A_534 {strides = array<i32>} : memref<224x256xf32, #tpu.memory_space<vmem>>, vector<1x16xf32>,
        %get3A_535 = arith.index_cast %scan3A_516 : i32 to index
        %get3A_536 = arith.constant 96 : index
        %get3A_537 = tpu.vector_load %arg5[%get3A_535, %get3A_536] {strides = array<i32>} : memref<224x256xf32, #tpu.memory_space<vmem>>, vector<1x16xf32>,
        %get3A_538 = vector.shape_cast %get3A_537 : vector<1x16xf32> to vector<16xf32>
        %swap3A_539 = arith.index_cast %scan3A_516 : i32 to index
        %swap3A_540 = arith.constant 48 : index
        %swap3A_541 = tpu.vector_load %arg5[%swap3A_539, %swap3A_540] {strides = array<i32>} : memref<224x256xf32, #tpu.memory_space<vmem>>, vector<1x16xf32>,
        %swap3A_542 = vector.shape_cast %swap3A_541 : vector<1x16xf32> to vector<16xf32>
        %swap3A_543 = vector.shape_cast %get3A_538 : vector<16xf32> to vector<1x16xf32>
        tpu.vector_store %arg5[%swap3A_539, %swap3A_540], %swap3A_543 {strides = array<i32>} : memref<224x256xf32, #tpu.memory_space<vmem>>, vector<1x16xf32>,
        %get3A_544 = arith.index_cast %scan3A_516 : i32 to index
        %get3A_545 = arith.constant 128 : index
        %get3A_546 = tpu.vector_load %arg5[%get3A_544, %get3A_545] {strides = array<i32>} : memref<224x256xf32, #tpu.memory_space<vmem>>, vector<1x16xf32>,
        %get3A_547 = vector.shape_cast %get3A_546 : vector<1x16xf32> to vector<16xf32>
        %swap3A_548 = arith.index_cast %scan3A_516 : i32 to index
        %swap3A_549 = arith.constant 64 : index
        %swap3A_550 = tpu.vector_load %arg5[%swap3A_548, %swap3A_549] {strides = array<i32>} : memref<224x256xf32, #tpu.memory_space<vmem>>, vector<1x16xf32>,
        %swap3A_551 = vector.shape_cast %swap3A_550 : vector<1x16xf32> to vector<16xf32>
        %swap3A_552 = vector.shape_cast %get3A_547 : vector<16xf32> to vector<1x16xf32>
        tpu.vector_store %arg5[%swap3A_548, %swap3A_549], %swap3A_552 {strides = array<i32>} : memref<224x256xf32, #tpu.memory_space<vmem>>, vector<1x16xf32>,
        %get3A_553 = arith.index_cast %scan3A_516 : i32 to index
        %get3A_554 = arith.constant 160 : index
        %get3A_555 = tpu.vector_load %arg5[%get3A_553, %get3A_554] {strides = array<i32>} : memref<224x256xf32, #tpu.memory_space<vmem>>, vector<1x16xf32>,
        %get3A_556 = vector.shape_cast %get3A_555 : vector<1x16xf32> to vector<16xf32>
        %swap3A_557 = arith.index_cast %scan3A_516 : i32 to index
        %swap3A_558 = arith.constant 80 : index
        %swap3A_559 = tpu.vector_load %arg5[%swap3A_557, %swap3A_558] {strides = array<i32>} : memref<224x256xf32, #tpu.memory_space<vmem>>, vector<1x16xf32>,
        %swap3A_560 = vector.shape_cast %swap3A_559 : vector<1x16xf32> to vector<16xf32>
        %swap3A_561 = vector.shape_cast %get3A_556 : vector<16xf32> to vector<1x16xf32>
        tpu.vector_store %arg5[%swap3A_557, %swap3A_558], %swap3A_561 {strides = array<i32>} : memref<224x256xf32, #tpu.memory_space<vmem>>, vector<1x16xf32>,
        %get3A_562 = arith.index_cast %scan3A_516 : i32 to index
        %get3A_563 = arith.constant 192 : index
        %get3A_564 = tpu.vector_load %arg5[%get3A_562, %get3A_563] {strides = array<i32>} : memref<224x256xf32, #tpu.memory_space<vmem>>, vector<1x16xf32>,
        %get3A_565 = vector.shape_cast %get3A_564 : vector<1x16xf32> to vector<16xf32>
        %swap3A_566 = arith.index_cast %scan3A_516 : i32 to index
        %swap3A_567 = arith.constant 96 : index
        %swap3A_568 = tpu.vector_load %arg5[%swap3A_566, %swap3A_567] {strides = array<i32>} : memref<224x256xf32, #tpu.memory_space<vmem>>, vector<1x16xf32>,
        %swap3A_569 = vector.shape_cast %swap3A_568 : vector<1x16xf32> to vector<16xf32>
        %swap3A_570 = vector.shape_cast %get3A_565 : vector<16xf32> to vector<1x16xf32>
        tpu.vector_store %arg5[%swap3A_566, %swap3A_567], %swap3A_570 {strides = array<i32>} : memref<224x256xf32, #tpu.memory_space<vmem>>, vector<1x16xf32>,
        %get3A_571 = arith.index_cast %scan3A_516 : i32 to index
        %get3A_572 = arith.constant 224 : index
        %get3A_573 = tpu.vector_load %arg5[%get3A_571, %get3A_572] {strides = array<i32>} : memref<224x256xf32, #tpu.memory_space<vmem>>, vector<1x16xf32>,
        %get3A_574 = vector.shape_cast %get3A_573 : vector<1x16xf32> to vector<16xf32>
        %swap3A_575 = arith.index_cast %scan3A_516 : i32 to index
        %swap3A_576 = arith.constant 112 : index
        %swap3A_577 = tpu.vector_load %arg5[%swap3A_575, %swap3A_576] {strides = array<i32>} : memref<224x256xf32, #tpu.memory_space<vmem>>, vector<1x16xf32>,
        %swap3A_578 = vector.shape_cast %swap3A_577 : vector<1x16xf32> to vector<16xf32>
        %swap3A_579 = vector.shape_cast %get3A_574 : vector<16xf32> to vector<1x16xf32>
        tpu.vector_store %arg5[%swap3A_575, %swap3A_576], %swap3A_579 {strides = array<i32>} : memref<224x256xf32, #tpu.memory_space<vmem>>, vector<1x16xf32>,
        %scan3A_580 = arith.constant 6 : i32
        %scan3A_581 = arith.addi %scan3A_193, %scan3A_580 : i32
        %get3A_582 = arith.index_cast %scan3A_581 : i32 to index
        %get3A_583 = arith.constant 32 : index
        %get3A_584 = tpu.vector_load %arg5[%get3A_582, %get3A_583] {strides = array<i32>} : memref<224x256xf32, #tpu.memory_space<vmem>>, vector<1x16xf32>,
        %get3A_585 = vector.shape_cast %get3A_584 : vector<1x16xf32> to vector<16xf32>
        %swap3A_586 = arith.index_cast %scan3A_581 : i32 to index
        %swap3A_587 = arith.constant 16 : index
        %swap3A_588 = tpu.vector_load %arg5[%swap3A_586, %swap3A_587] {strides = array<i32>} : memref<224x256xf32, #tpu.memory_space<vmem>>, vector<1x16xf32>,
        %swap3A_589 = vector.shape_cast %swap3A_588 : vector<1x16xf32> to vector<16xf32>
        %swap3A_590 = vector.shape_cast %get3A_585 : vector<16xf32> to vector<1x16xf32>
        tpu.vector_store %arg5[%swap3A_586, %swap3A_587], %swap3A_590 {strides = array<i32>} : memref<224x256xf32, #tpu.memory_space<vmem>>, vector<1x16xf32>,
        %get3A_591 = arith.index_cast %scan3A_581 : i32 to index
        %get3A_592 = arith.constant 64 : index
        %get3A_593 = tpu.vector_load %arg5[%get3A_591, %get3A_592] {strides = array<i32>} : memref<224x256xf32, #tpu.memory_space<vmem>>, vector<1x16xf32>,
        %get3A_594 = vector.shape_cast %get3A_593 : vector<1x16xf32> to vector<16xf32>
        %swap3A_595 = arith.index_cast %scan3A_581 : i32 to index
        %swap3A_596 = arith.constant 32 : index
        %swap3A_597 = tpu.vector_load %arg5[%swap3A_595, %swap3A_596] {strides = array<i32>} : memref<224x256xf32, #tpu.memory_space<vmem>>, vector<1x16xf32>,
        %swap3A_598 = vector.shape_cast %swap3A_597 : vector<1x16xf32> to vector<16xf32>
        %swap3A_599 = vector.shape_cast %get3A_594 : vector<16xf32> to vector<1x16xf32>
        tpu.vector_store %arg5[%swap3A_595, %swap3A_596], %swap3A_599 {strides = array<i32>} : memref<224x256xf32, #tpu.memory_space<vmem>>, vector<1x16xf32>,
        %get3A_600 = arith.index_cast %scan3A_581 : i32 to index
        %get3A_601 = arith.constant 96 : index
        %get3A_602 = tpu.vector_load %arg5[%get3A_600, %get3A_601] {strides = array<i32>} : memref<224x256xf32, #tpu.memory_space<vmem>>, vector<1x16xf32>,
        %get3A_603 = vector.shape_cast %get3A_602 : vector<1x16xf32> to vector<16xf32>
        %swap3A_604 = arith.index_cast %scan3A_581 : i32 to index
        %swap3A_605 = arith.constant 48 : index
        %swap3A_606 = tpu.vector_load %arg5[%swap3A_604, %swap3A_605] {strides = array<i32>} : memref<224x256xf32, #tpu.memory_space<vmem>>, vector<1x16xf32>,
        %swap3A_607 = vector.shape_cast %swap3A_606 : vector<1x16xf32> to vector<16xf32>
        %swap3A_608 = vector.shape_cast %get3A_603 : vector<16xf32> to vector<1x16xf32>
        tpu.vector_store %arg5[%swap3A_604, %swap3A_605], %swap3A_608 {strides = array<i32>} : memref<224x256xf32, #tpu.memory_space<vmem>>, vector<1x16xf32>,
        %get3A_609 = arith.index_cast %scan3A_581 : i32 to index
        %get3A_610 = arith.constant 128 : index
        %get3A_611 = tpu.vector_load %arg5[%get3A_609, %get3A_610] {strides = array<i32>} : memref<224x256xf32, #tpu.memory_space<vmem>>, vector<1x16xf32>,
        %get3A_612 = vector.shape_cast %get3A_611 : vector<1x16xf32> to vector<16xf32>
        %swap3A_613 = arith.index_cast %scan3A_581 : i32 to index
        %swap3A_614 = arith.constant 64 : index
        %swap3A_615 = tpu.vector_load %arg5[%swap3A_613, %swap3A_614] {strides = array<i32>} : memref<224x256xf32, #tpu.memory_space<vmem>>, vector<1x16xf32>,
        %swap3A_616 = vector.shape_cast %swap3A_615 : vector<1x16xf32> to vector<16xf32>
        %swap3A_617 = vector.shape_cast %get3A_612 : vector<16xf32> to vector<1x16xf32>
        tpu.vector_store %arg5[%swap3A_613, %swap3A_614], %swap3A_617 {strides = array<i32>} : memref<224x256xf32, #tpu.memory_space<vmem>>, vector<1x16xf32>,
        %get3A_618 = arith.index_cast %scan3A_581 : i32 to index
        %get3A_619 = arith.constant 160 : index
        %get3A_620 = tpu.vector_load %arg5[%get3A_618, %get3A_619] {strides = array<i32>} : memref<224x256xf32, #tpu.memory_space<vmem>>, vector<1x16xf32>,
        %get3A_621 = vector.shape_cast %get3A_620 : vector<1x16xf32> to vector<16xf32>
        %swap3A_622 = arith.index_cast %scan3A_581 : i32 to index
        %swap3A_623 = arith.constant 80 : index
        %swap3A_624 = tpu.vector_load %arg5[%swap3A_622, %swap3A_623] {strides = array<i32>} : memref<224x256xf32, #tpu.memory_space<vmem>>, vector<1x16xf32>,
        %swap3A_625 = vector.shape_cast %swap3A_624 : vector<1x16xf32> to vector<16xf32>
        %swap3A_626 = vector.shape_cast %get3A_621 : vector<16xf32> to vector<1x16xf32>
        tpu.vector_store %arg5[%swap3A_622, %swap3A_623], %swap3A_626 {strides = array<i32>} : memref<224x256xf32, #tpu.memory_space<vmem>>, vector<1x16xf32>,
        %get3A_627 = arith.index_cast %scan3A_581 : i32 to index
        %get3A_628 = arith.constant 192 : index
        %get3A_629 = tpu.vector_load %arg5[%get3A_627, %get3A_628] {strides = array<i32>} : memref<224x256xf32, #tpu.memory_space<vmem>>, vector<1x16xf32>,
        %get3A_630 = vector.shape_cast %get3A_629 : vector<1x16xf32> to vector<16xf32>
        %swap3A_631 = arith.index_cast %scan3A_581 : i32 to index
        %swap3A_632 = arith.constant 96 : index
        %swap3A_633 = tpu.vector_load %arg5[%swap3A_631, %swap3A_632] {strides = array<i32>} : memref<224x256xf32, #tpu.memory_space<vmem>>, vector<1x16xf32>,
        %swap3A_634 = vector.shape_cast %swap3A_633 : vector<1x16xf32> to vector<16xf32>
        %swap3A_635 = vector.shape_cast %get3A_630 : vector<16xf32> to vector<1x16xf32>
        tpu.vector_store %arg5[%swap3A_631, %swap3A_632], %swap3A_635 {strides = array<i32>} : memref<224x256xf32, #tpu.memory_space<vmem>>, vector<1x16xf32>,
        %get3A_636 = arith.index_cast %scan3A_581 : i32 to index
        %get3A_637 = arith.constant 224 : index
        %get3A_638 = tpu.vector_load %arg5[%get3A_636, %get3A_637] {strides = array<i32>} : memref<224x256xf32, #tpu.memory_space<vmem>>, vector<1x16xf32>,
        %get3A_639 = vector.shape_cast %get3A_638 : vector<1x16xf32> to vector<16xf32>
        %swap3A_640 = arith.index_cast %scan3A_581 : i32 to index
        %swap3A_641 = arith.constant 112 : index
        %swap3A_642 = tpu.vector_load %arg5[%swap3A_640, %swap3A_641] {strides = array<i32>} : memref<224x256xf32, #tpu.memory_space<vmem>>, vector<1x16xf32>,
        %swap3A_643 = vector.shape_cast %swap3A_642 : vector<1x16xf32> to vector<16xf32>
        %swap3A_644 = vector.shape_cast %get3A_639 : vector<16xf32> to vector<1x16xf32>
        tpu.vector_store %arg5[%swap3A_640, %swap3A_641], %swap3A_644 {strides = array<i32>} : memref<224x256xf32, #tpu.memory_space<vmem>>, vector<1x16xf32>,
        %scan3A_645 = arith.constant 7 : i32
        %scan3A_646 = arith.addi %scan3A_193, %scan3A_645 : i32
        %get3A_647 = arith.index_cast %scan3A_646 : i32 to index
        %get3A_648 = arith.constant 32 : index
        %get3A_649 = tpu.vector_load %arg5[%get3A_647, %get3A_648] {strides = array<i32>} : memref<224x256xf32, #tpu.memory_space<vmem>>, vector<1x16xf32>,
        %get3A_650 = vector.shape_cast %get3A_649 : vector<1x16xf32> to vector<16xf32>
        %swap3A_651 = arith.index_cast %scan3A_646 : i32 to index
        %swap3A_652 = arith.constant 16 : index
        %swap3A_653 = tpu.vector_load %arg5[%swap3A_651, %swap3A_652] {strides = array<i32>} : memref<224x256xf32, #tpu.memory_space<vmem>>, vector<1x16xf32>,
        %swap3A_654 = vector.shape_cast %swap3A_653 : vector<1x16xf32> to vector<16xf32>
        %swap3A_655 = vector.shape_cast %get3A_650 : vector<16xf32> to vector<1x16xf32>
        tpu.vector_store %arg5[%swap3A_651, %swap3A_652], %swap3A_655 {strides = array<i32>} : memref<224x256xf32, #tpu.memory_space<vmem>>, vector<1x16xf32>,
        %get3A_656 = arith.index_cast %scan3A_646 : i32 to index
        %get3A_657 = arith.constant 64 : index
        %get3A_658 = tpu.vector_load %arg5[%get3A_656, %get3A_657] {strides = array<i32>} : memref<224x256xf32, #tpu.memory_space<vmem>>, vector<1x16xf32>,
        %get3A_659 = vector.shape_cast %get3A_658 : vector<1x16xf32> to vector<16xf32>
        %swap3A_660 = arith.index_cast %scan3A_646 : i32 to index
        %swap3A_661 = arith.constant 32 : index
        %swap3A_662 = tpu.vector_load %arg5[%swap3A_660, %swap3A_661] {strides = array<i32>} : memref<224x256xf32, #tpu.memory_space<vmem>>, vector<1x16xf32>,
        %swap3A_663 = vector.shape_cast %swap3A_662 : vector<1x16xf32> to vector<16xf32>
        %swap3A_664 = vector.shape_cast %get3A_659 : vector<16xf32> to vector<1x16xf32>
        tpu.vector_store %arg5[%swap3A_660, %swap3A_661], %swap3A_664 {strides = array<i32>} : memref<224x256xf32, #tpu.memory_space<vmem>>, vector<1x16xf32>,
        %get3A_665 = arith.index_cast %scan3A_646 : i32 to index
        %get3A_666 = arith.constant 96 : index
        %get3A_667 = tpu.vector_load %arg5[%get3A_665, %get3A_666] {strides = array<i32>} : memref<224x256xf32, #tpu.memory_space<vmem>>, vector<1x16xf32>,
        %get3A_668 = vector.shape_cast %get3A_667 : vector<1x16xf32> to vector<16xf32>
        %swap3A_669 = arith.index_cast %scan3A_646 : i32 to index
        %swap3A_670 = arith.constant 48 : index
        %swap3A_671 = tpu.vector_load %arg5[%swap3A_669, %swap3A_670] {strides = array<i32>} : memref<224x256xf32, #tpu.memory_space<vmem>>, vector<1x16xf32>,
        %swap3A_672 = vector.shape_cast %swap3A_671 : vector<1x16xf32> to vector<16xf32>
        %swap3A_673 = vector.shape_cast %get3A_668 : vector<16xf32> to vector<1x16xf32>
        tpu.vector_store %arg5[%swap3A_669, %swap3A_670], %swap3A_673 {strides = array<i32>} : memref<224x256xf32, #tpu.memory_space<vmem>>, vector<1x16xf32>,
        %get3A_674 = arith.index_cast %scan3A_646 : i32 to index
        %get3A_675 = arith.constant 128 : index
        %get3A_676 = tpu.vector_load %arg5[%get3A_674, %get3A_675] {strides = array<i32>} : memref<224x256xf32, #tpu.memory_space<vmem>>, vector<1x16xf32>,
        %get3A_677 = vector.shape_cast %get3A_676 : vector<1x16xf32> to vector<16xf32>
        %swap3A_678 = arith.index_cast %scan3A_646 : i32 to index
        %swap3A_679 = arith.constant 64 : index
        %swap3A_680 = tpu.vector_load %arg5[%swap3A_678, %swap3A_679] {strides = array<i32>} : memref<224x256xf32, #tpu.memory_space<vmem>>, vector<1x16xf32>,
        %swap3A_681 = vector.shape_cast %swap3A_680 : vector<1x16xf32> to vector<16xf32>
        %swap3A_682 = vector.shape_cast %get3A_677 : vector<16xf32> to vector<1x16xf32>
        tpu.vector_store %arg5[%swap3A_678, %swap3A_679], %swap3A_682 {strides = array<i32>} : memref<224x256xf32, #tpu.memory_space<vmem>>, vector<1x16xf32>,
        %get3A_683 = arith.index_cast %scan3A_646 : i32 to index
        %get3A_684 = arith.constant 160 : index
        %get3A_685 = tpu.vector_load %arg5[%get3A_683, %get3A_684] {strides = array<i32>} : memref<224x256xf32, #tpu.memory_space<vmem>>, vector<1x16xf32>,
        %get3A_686 = vector.shape_cast %get3A_685 : vector<1x16xf32> to vector<16xf32>
        %swap3A_687 = arith.index_cast %scan3A_646 : i32 to index
        %swap3A_688 = arith.constant 80 : index
        %swap3A_689 = tpu.vector_load %arg5[%swap3A_687, %swap3A_688] {strides = array<i32>} : memref<224x256xf32, #tpu.memory_space<vmem>>, vector<1x16xf32>,
        %swap3A_690 = vector.shape_cast %swap3A_689 : vector<1x16xf32> to vector<16xf32>
        %swap3A_691 = vector.shape_cast %get3A_686 : vector<16xf32> to vector<1x16xf32>
        tpu.vector_store %arg5[%swap3A_687, %swap3A_688], %swap3A_691 {strides = array<i32>} : memref<224x256xf32, #tpu.memory_space<vmem>>, vector<1x16xf32>,
        %get3A_692 = arith.index_cast %scan3A_646 : i32 to index
        %get3A_693 = arith.constant 192 : index
        %get3A_694 = tpu.vector_load %arg5[%get3A_692, %get3A_693] {strides = array<i32>} : memref<224x256xf32, #tpu.memory_space<vmem>>, vector<1x16xf32>,
        %get3A_695 = vector.shape_cast %get3A_694 : vector<1x16xf32> to vector<16xf32>
        %swap3A_696 = arith.index_cast %scan3A_646 : i32 to index
        %swap3A_697 = arith.constant 96 : index
        %swap3A_698 = tpu.vector_load %arg5[%swap3A_696, %swap3A_697] {strides = array<i32>} : memref<224x256xf32, #tpu.memory_space<vmem>>, vector<1x16xf32>,
        %swap3A_699 = vector.shape_cast %swap3A_698 : vector<1x16xf32> to vector<16xf32>
        %swap3A_700 = vector.shape_cast %get3A_695 : vector<16xf32> to vector<1x16xf32>
        tpu.vector_store %arg5[%swap3A_696, %swap3A_697], %swap3A_700 {strides = array<i32>} : memref<224x256xf32, #tpu.memory_space<vmem>>, vector<1x16xf32>,
        %get3A_701 = arith.index_cast %scan3A_646 : i32 to index
        %get3A_702 = arith.constant 224 : index
        %get3A_703 = tpu.vector_load %arg5[%get3A_701, %get3A_702] {strides = array<i32>} : memref<224x256xf32, #tpu.memory_space<vmem>>, vector<1x16xf32>,
        %get3A_704 = vector.shape_cast %get3A_703 : vector<1x16xf32> to vector<16xf32>
        %swap3A_705 = arith.index_cast %scan3A_646 : i32 to index
        %swap3A_706 = arith.constant 112 : index
        %swap3A_707 = tpu.vector_load %arg5[%swap3A_705, %swap3A_706] {strides = array<i32>} : memref<224x256xf32, #tpu.memory_space<vmem>>, vector<1x16xf32>,
        %swap3A_708 = vector.shape_cast %swap3A_707 : vector<1x16xf32> to vector<16xf32>
        %swap3A_709 = vector.shape_cast %get3A_704 : vector<16xf32> to vector<1x16xf32>
        tpu.vector_store %arg5[%swap3A_705, %swap3A_706], %swap3A_709 {strides = array<i32>} : memref<224x256xf32, #tpu.memory_space<vmem>>, vector<1x16xf32>,
      }
      %scan3A_174 = arith.constant 224 : i32
      %mul3A_175 = arith.constant 28 : i32
      %mul3A_176 = arith.muli %add3A_141, %mul3A_175 : i32
      %add3A_177 = arith.addi %select_n3A, %mul3A_176 : i32
      %sub3A_178 = arith.constant 28 : i32
      %sub3A_179 = arith.subi %select_n3A_46, %sub3A_178 : i32
      %min3A_180 = arith.minsi %add3A_177, %sub3A_179 : i32
      %mul3A_181 = arith.constant 8 : i32
      %mul3A_182 = arith.muli %min3A_180, %mul3A_181 : i32
      %dma_start3A_183 = arith.constant 0 : i32
      %dma_start3A_184 = arith.constant 0 : i32
      %dma_start3A_185 = tpu.memref_slice %arg5[%dma_start3A_183, %dma_start3A_184] : memref<224x256xf32, #tpu.memory_space<vmem>> -> memref<224x128xf32, #tpu.memory_space<vmem>>
      %dma_start3A_186 = arith.constant 0 : i32
      %dma_start3A_187 = tpu.memref_slice %arg3[%mul3A_182, %dma_start3A_186] : memref<100000x128xf32, #tpu.memory_space<hbm>> -> memref<224x128xf32, #tpu.memory_space<hbm>>
      %dma_start3A_188 = arith.constant 0 : i32
      %dma_start3A_189 = tpu.memref_slice %arg3[%mul3A_182, %dma_start3A_188] : memref<100000x128xf32, #tpu.memory_space<hbm>> -> memref<224x128xf32, #tpu.memory_space<hbm>>
      %dma_start3A_190 = arith.constant 0 : i32
      %dma_start3A_191 = arith.constant 0 : i32
      %dma_start3A_192 = tpu.memref_slice %arg5[%dma_start3A_190, %dma_start3A_191] : memref<224x256xf32, #tpu.memory_space<vmem>> -> memref<224x128xf32, #tpu.memory_space<vmem>>
      tpu.enqueue_dma source(%dma_start3A_192 : memref<224x128xf32, #tpu.memory_space<vmem>>) target(%dma_start3A_189 : memref<224x128xf32, #tpu.memory_space<hbm>>) target_semaphore(%arg9 : memref<!tpu.dma_semaphore, #tpu.memory_space<semaphore_mem>>)
    }
    %scan3A_71 = arith.constant 7 : i32
    %add3A_72 = arith.constant 364 : i32
    %add3A_73 = arith.addi %select_n3A, %add3A_72 : i32
    %sub3A_74 = arith.constant 28 : i32
    %sub3A_75 = arith.subi %select_n3A_46, %sub3A_74 : i32
    %min3A_76 = arith.minsi %add3A_73, %sub3A_75 : i32
    %mul3A_77 = arith.constant 8 : i32
    %mul3A_78 = arith.muli %min3A_76, %mul3A_77 : i32
    %dma_wait3A = arith.constant 0 : i32
    %dma_wait3A_79 = arith.constant 0 : i32
    %dma_wait3A_80 = tpu.memref_slice %arg5[%dma_wait3A, %dma_wait3A_79] : memref<224x256xf32, #tpu.memory_space<vmem>> -> memref<224x128xf32, #tpu.memory_space<vmem>>
    %dma_wait3A_81 = arith.constant 0 : i32
    %dma_wait3A_82 = tpu.memref_slice %arg3[%mul3A_78, %dma_wait3A_81] : memref<100000x128xf32, #tpu.memory_space<hbm>> -> memref<224x128xf32, #tpu.memory_space<hbm>>
    %dma_wait3A_83 = arith.constant 0 : i32
    %dma_wait3A_84 = tpu.memref_slice %arg3[%mul3A_78, %dma_wait3A_83] : memref<100000x128xf32, #tpu.memory_space<hbm>> -> memref<224x128xf32, #tpu.memory_space<hbm>>
    %dma_wait3A_85 = arith.constant 0 : i32
    %dma_wait3A_86 = arith.constant 0 : i32
    %dma_wait3A_87 = tpu.memref_slice %arg5[%dma_wait3A_85, %dma_wait3A_86] : memref<224x256xf32, #tpu.memory_space<vmem>> -> memref<224x128xf32, #tpu.memory_space<vmem>>
    tpu.wait_dma2 semaphore(%arg9 : memref<!tpu.dma_semaphore, #tpu.memory_space<semaphore_mem>>) src(%dma_wait3A_87 : memref<224x128xf32, #tpu.memory_space<vmem>>) dst(%dma_wait3A_84 : memref<224x128xf32, #tpu.memory_space<hbm>>)
    return
  }
}

</mosaic_0001>

<sc_bundles>
// kernel: kernel.3.cloned.1.call-start
scs
__scs_entry_jumppad:
0x0: {  	(pc) =	sbr.rel $0x88, $3  }
0x1: {  	(tag) =	ssettag $0x0;
	lr =	simm.s32 $0x1  }
0x2: {  	[smem:$0x3FA0] =	sst lr;
	_ =	strace $0xD0000000  }
0x3: {  	_ = 	snop  }
0x4: {  	_ = 	snop  }
0x5: {  	_ = 	snop  }
0x6: {  	_ = 	snop  }
0x7: {  	_ = 	snop  }
__scs_overlays_trampoline_lowered:
0x8: {  	[smem:$0x3FAF] =	sst s0  }
0x9: {  	[smem:$0x3FB0] =	sst s1  }
0xa: {  	[smem:$0x3FB1] =	sst s2  }
0xb: {  	[smem:$0x3FB2] =	sst s3  }
0xc: {  	[smem:$0x3FB3] =	sst s4  }
0xd: {  	[smem:$0x3FB4] =	sst s5  }
0xe: {  	[smem:$0x3FB5] =	sst s6  }
0xf: {  	[smem:$0x3FB6] =	sst s7  }
0x10: {  	[smem:$0x3FB7] =	sst s8  }
0x11: {  	[smem:$0x3FB8] =	sst s9;
	s0 =	simm.s32 @!p0 $0x0  }
0x12: {  	s1 =	sld [smem:$0x3F9E];
	s0 =	simm.s32 @p0 $0x1  }
0x13: {  	[smem:$0x3FB9] =	sst s0;
	s0 =	simm.s32 @!p1 $0x0  }
0x14: {  	s2 =	sld [smem:$0x3F9D];
	s0 =	simm.s32 @p1 $0x1  }
0x15: {  	[smem:$0x3FBA] =	sst s0;
	s0 =	simm.s32 @!p2 $0x0  }
0x16: {  	s3 =	sld [smem:$0x3FDB];
	s0 =	simm.s32 @p2 $0x1  }
0x17: {  	s4 =	simm.s32 $0x1BF5;
	[smem:$0x3FBC] =	sst s0  }
0x18: {  	s0 =	sld [smem:$0x3F9F];
	_ =	swait.ge [sflag:s4], $0x0  }
0x19: {  	s7 =	sld [smem:$0x3FA0]  }
0x1a: {  	s8 =	sadd.s32 $0xFFFFE003, lr  }
0x1b: {  	s9 =	sadd.s32 $0xFFFFFEF7, lr;
	s5 =	simm.s32 $0xFFFFFFFF;
	p2 =	slt.u32 s8, $0xFFFFF086  }
0x1c: {  	p1 =	slt.u32 s9, $0xF7A;
	s5 =	simm.s32 @!p2 $0x0  }
0x1d: {  	s5 =	simm.s32 @p1 $0x1;
	p0 =	seq.s32 s7, s2  }
0x1e: {  	s7 =	smul.u32 @!p0 $0xF7A, s2;
	p2 =	seq.s32 @!p0 s5, $0x0  }
0x1f: {  	s9 =	smul.u32 $0xF7A, s1;
	s8 =	simm.s32 @!p0 $0x1BF5;
	p2 =	por !p2, p0  }
0x20: {  	[sflag:s8] =	ssyncset.s32 @!p0 $0xFFFFF086;
	s6 =	sadd.s32 @!p0 s3, s7;
	s7 =	simm.s32 @!p0 $0x108  }
0x21: {  	s3 =	sadd.s32 s3, s9;
	s6 =	sadd.s32 @!p0 $0x88, s6;
	s7 =	simm.s32 @p2 $0x1082  }
0x22: {  	[simem:s7], [sflag:s8] =	dma.local @!p0 [hbm:s6], $0xF7A  }
0x23: {  	s9 =	sor.u32 $0xD0000000, s2;
	s6 =	simm.s32 $0x108;
	_ =	swait.ge @!p0 [sflag:s8], $0x0  }
0x24: {  	s3 =	sadd.s32 $0x88, s3;
	s6 =	simm.s32 @!p1 $0x1082;
	[sflag:s4] =	ssyncset.s32 $0xFFFFF086  }
0x25: {  	[simem:s6], [sflag:s4] =	dma.local [hbm:s3], $0xF7A  }
0x26: {  	[smem:$0x3FA0] =	sst s1;
	(tag) =	ssettag s2;
	_ =	strace s9  }
0x27: {  	s1 =	sld [smem:$0x3FB0]  }
0x28: {  	s2 =	sld [smem:$0x3FB1]  }
0x29: {  	s4 =	sld [smem:$0x3FB3]  }
0x2a: {  	p0 =	seq.s32 s5, $0x0;
	s5 =	sld [smem:$0x3FB4]  }
0x2b: {  	s6 =	sld [smem:$0x3FB5]  }
0x2c: {  	s7 =	sld [smem:$0x3FB6]  }
0x2d: {  	s3 =	simm.s32 $0x108;
	s8 =	sld [smem:$0x3FB7]  }
0x2e: {  	s3 =	simm.s32 @!p0 $0x1082;
	s9 =	sld [smem:$0x3FB8]  }
0x2f: {  	lr =	sadd.s32 s0, s3;
	s0 =	sld [smem:$0x3FAF]  }
0x30: {  	s3 =	sld [smem:$0x3FB2]  }
0x31: {  	[smem:$0x3FBB] =	sst s10  }
0x32: {  	s10 =	sld [smem:$0x3FB9];
	_ =	sdelay $0x3  }
0x33: {  	p0 =	seq.s32 s10, $0x1;
	s10 =	sld [smem:$0x3FBB];
	_ =	sdelay $0x3  }
0x34: {  	[smem:$0x3FBB] =	sst s10  }
0x35: {  	s10 =	sld [smem:$0x3FBA];
	_ =	sdelay $0x3  }
0x36: {  	p1 =	seq.s32 s10, $0x1;
	s10 =	sld [smem:$0x3FBB];
	_ =	sdelay $0x3  }
0x37: {  	[smem:$0x3FBB] =	sst s10  }
0x38: {  	s10 =	sld [smem:$0x3FBC]  }
0x39: {  	_ = 	snop;
	(pc) =	sbr.ind lr, $3  }
0x3a: {  	_ = 	snop  }
0x3b: {  	_ = 	snop  }
0x3c: {  	p2 =	seq.s32 s10, $0x1;
	s10 =	sld [smem:$0x3FBB]  }
0x3d: {  	_ =	shalt  }
0x3e: {  	_ =	shalt  }
0x3f: {  	_ =	shalt  }
0x40: {  	_ =	shalt  }
0x41: {  	_ =	shalt  }
0x42: {  	_ =	shalt  }
0x43: {  	_ =	shalt  }
0x44: {  	_ =	shalt  }
0x45: {  	_ =	shalt  }
0x46: {  	_ =	shalt  }
0x47: {  	_ =	shalt  }
0x48: {  	_ =	shalt  }
0x49: {  	_ =	shalt  }
0x4a: {  	_ =	shalt  }
0x4b: {  	_ =	shalt  }
0x4c: {  	_ =	shalt  }
0x4d: {  	_ =	shalt  }
0x4e: {  	_ =	shalt  }
0x4f: {  	_ =	shalt  }
0x50: {  	_ =	shalt  }
0x51: {  	_ =	shalt  }
0x52: {  	_ =	shalt  }
0x53: {  	_ =	shalt  }
0x54: {  	_ =	shalt  }
0x55: {  	_ =	shalt  }
0x56: {  	_ =	shalt  }
0x57: {  	_ =	shalt  }
0x58: {  	_ =	shalt  }
0x59: {  	_ =	shalt  }
0x5a: {  	_ =	shalt  }
0x5b: {  	_ =	shalt  }
0x5c: {  	_ =	shalt  }
0x5d: {  	_ =	shalt  }
0x5e: {  	_ =	shalt  }
0x5f: {  	_ =	shalt  }
0x60: {  	_ =	shalt  }
0x61: {  	_ =	shalt  }
0x62: {  	_ =	shalt  }
0x63: {  	_ =	shalt  }
0x64: {  	_ =	shalt  }
0x65: {  	_ =	shalt  }
0x66: {  	_ =	shalt  }
0x67: {  	_ =	shalt  }
0x68: {  	_ =	shalt  }
0x69: {  	_ =	shalt  }
0x6a: {  	_ =	shalt  }
0x6b: {  	_ =	shalt  }
0x6c: {  	_ =	shalt  }
0x6d: {  	_ =	shalt  }
0x6e: {  	_ =	shalt  }
0x6f: {  	_ =	shalt  }
0x70: {  	_ =	shalt  }
0x71: {  	_ =	shalt  }
0x72: {  	_ =	shalt  }
0x73: {  	_ =	shalt  }
0x74: {  	_ =	shalt  }
0x75: {  	_ =	shalt  }
0x76: {  	_ =	shalt  }
0x77: {  	_ =	shalt  }
0x78: {  	_ =	shalt  }
0x79: {  	_ =	shalt  }
0x7a: {  	_ =	shalt  }
0x7b: {  	_ =	shalt  }
0x7c: {  	_ =	shalt  }
0x7d: {  	_ =	shalt  }
0x7e: {  	_ =	shalt  }
0x7f: {  	_ =	shalt  }
0x80: {  	_ =	shalt  }
0x81: {  	_ =	shalt  }
0x82: {  	_ =	shalt  }
0x83: {  	_ =	shalt  }
0x84: {  	_ =	shalt  }
0x85: {  	_ =	shalt  }
0x86: {  	_ =	shalt  }
0x87: {  	_ =	shalt  }
.Lfunc_end0:
.L_simem_size_0:
called_computation_lowered:
.L_overlay_start_0:
0x88: {  	s2 =	sld [smem:$0x3FD9]  }
0x89: {  	s3 =	sld [smem:$0x3FFE];
	_ =	sdelay $0x1  }
0x8a: {  	s1 =	srdreg.scid  }
0x8b: {  	s0 =	sand.u32 $0x1, s1  }
0x8c: {  	s18 =	sshll.u32 s0, $0xA;
	s2 =	sadd.s32 s3, s2  }
0x8d: {  	s2 =	sadd.s32 s2, s18  }
0x8e: {  	[smem:$0x3FC7] =	sst s2  }
0x8f: {  	_ = 	snop  }
0x90: {  	s2 =	sld [smem:$0x3FC9]  }
0x91: {  	s19 =	sld [smem:$0x3FD0];
	(tm) =	ssettm $0x1  }
0x92: {  	s4 =	sld [smem:$0x3FFB];
	_ =	sdelay $0x3  }
0x93: {  	_ =	strace s4  }
0x94: {  	s4 =	sld [smem:$0x3FFC];
	_ =	sdelay $0x3  }
0x95: {  	_ =	strace s4  }
0x96: {  	s4 =	sld [smem:$0x3FFD];
	_ =	sdelay $0x3  }
0x97: {  	_ =	strace s4  }
0x98: {  	_ =	strace $0x8FFFFFFF  }
0x99: {  	s20 =	sld [smem:$0x3FDB];
	_ =	sdelay $0x1  }
0x9a: {  	s5 =	simm.s32 $_scs_section_size  }
0x9b: {  	s6 =	simm.s32 $_size__tile_overlayer_lowered;
	s7 =	simm.s32 $_tile_overlayer_lowered  }
0x9c: {  	s23 =	simm.s32 $0x1BFF;
	s22 =	sshll.u32 s7, $0x1;
	s4 =	sadd.s32 s5, s20  }
0x9d: {  	s8 =	simm.s32 $0x0;
	s21 =	sshll.u32 s6, $0x1;
	s6 =	sadd.s32 s22, s4  }
0x9e: {  	[timem:s8], [sflag:s23] =	dma.local [hbm:s6], s21  }
0x9f: {  	_ =	swait.ge [sflag:s23], s21  }
0xa0: {  	s5 =	ssub.s32 $0x0, s21;
	[sflag:s23] =	ssyncset.done $0x0  }
0xa1: {  	[sflag:s23] =	ssyncadd.s32 s5;
	_ =	sdelay $0x1  }
0xa2: {  	s24 =	simm.s32 $0x1B8B  }
0xa3: {  	_ =	swait.ge [sflag:s24], $0x1  }
0xa4: {  	[sflag:s24] =	ssyncset.done $0x0  }
0xa5: {  	s25 =	simm.s32 $0x1B8E;
	[sflag:s24] =	ssyncadd.s32 $0xFFFFFFFF  }
0xa6: {  	s26 =	simm.s32 $execute0_lowered;
	[smem:$0x3FD2] =	sst s25  }
0xa7: {  	s5 =	sshll.u32 s26, $0x1;
	_ =	strace $0x80000046;
	[dreg:$0x1] =	wrdreg $0xFFFFFFFF  }
0xa8: {  	s28 =	simm.s32 $_size_execute0_lowered;
	s4 =	sadd.s32 s4, s5;
	[dreg:$0x0] =	wrdreg $0x0  }
0xa9: {  	s5 =	sshll.u32 s28, $0x1;
	[dreg:$0x2] =	wrdreg s4  }
0xaa: {  	[dreg:$0x3] =	wrdreg s5  }
0xab: {  	[dreg:$0x4] =	wrdreg $0xC0  }
0xac: {  	_ =	task [dreg:s8], $0x5FFFF  }
0xad: {  	[dreg:$0x1] =	wrdreg $0xFFFFFFFF  }
0xae: {  	[dreg:$0x0] =	wrdreg $0x60  }
0xaf: {  	[dreg:$0x2] =	wrdreg s2  }
0xb0: {  	[dreg:$0x3] =	wrdreg s19  }
0xb1: {  	[dreg:$0x4] =	wrdreg $0x9  }
0xb2: {  	_ =	task.clear_ibuf [dreg:s8], $0x5FFFF;
	_ =	strace $0x90000046  }
0xb3: {  	s29 =	simm.s32 $0x9;
	_ =	strace $0x80000048  }
0xb4: {  	_ =	swait.ge [sflag:s29], $0x1  }
0xb5: {  	[sflag:s29] =	ssyncadd.s32 $0xFFFFFFFF  }
0xb6: {  	_ =	strace $0x90000048  }
0xb7: {  	_ =	sfence  }
0xb8: {  	s30 =	sld [smem:$0x0];
	_ =	sdelay $0x2  }
0xb9: {  	s31 =	sshll.u32 s1, $0xD;
	s1 =	sshrl.u32 s1, $0x2  }
0xba: {  	s3 =	sand.u32 $0x4000, s31;
	s1 =	sadd.s32 s1, s30  }
0xbb: {  	s0 =	sor.u32 s3, s0;
	s1 =	sshll.u32 s1, $0x11  }
0xbc: {  	s0 =	sor.u32 s1, s0  }
0xbd: {  	s0 =	sadd.s32 $0x8F2B, s0  }
0xbe: {  	[sflag:s0] =	ssyncadd.remote.s32 $0x1  }
0xbf: {  	_ =	sfence.sel $0xFFFF  }
0xc0: {  	[dreg:$0x0] =	wrdreg $0xFFFFFFFF;
	(pc) =	sbr.abs _section_cstart, $3  }
0xc1: {  	[dreg:$0x1] =	wrdreg $0xFFFFFFFF  }
0xc2: {  	_ =	task.clear_ibuf [dreg:s8], $0x2FFFF;
	_ =	strace $0x9FFFFFFF  }
0xc3: {  	(tm) =	ssettm $0x7FFFFFFF  }
tec
execute0_lowered:
.L_overlay_start_1:
0x0: {  	(tag) =	ssettag $0x1  }
0x1: {  	s1 =	srdreg.scid  }
0x2: {  	s0 =	stileid.u32;
	s2 =	rddreg [dreg:$0x0]  }
0x3: {  	s3 =	rddreg [dreg:$0x1];
	s7 =	sand.u32 $0x1, s1;
	s30 =	sshll.u32 s0, $0x1  }
0x4: {  	s4 =	simm.s32 $0x0;
	s11 =	simm.s32 $0xE000;
	s1 =	sor.u32 s7, s30  }
0x5: {  	s12 =	simm.s32 $0x1;
	s13 =	simm.s32 $0x2;
	s5 =	smul.u32 $0x30D4, s1  }
0x6: {  	s14 =	simm.s32 $0x3;
	s15 =	simm.s32 $0x4;
	s16 =	simm.s32 $0x0  }
0x7: {  	[smem:$0x7FF] =	sst s4;
	s7 =	ssub.s32 $0x2, s7;
	s6 =	sadd.s32 $0x30D4, s5  }
0x8: {  	s1 =	rddreg [dreg:$0x2];
	s5 =	sshrl.u32 s5, $0x5;
	s6 =	sshrl.u32 s6, $0x5  }
0x9: {  	_ =	strace $0x80000047;
	s9 =	sadd.s32 $0x1C, s5;
	s6 =	sadd.s32 $0xFFFFFFE4, s6  }
0xa: {  	s10 =	sshrl.u32 s7, $0x1;
	s8 =	smin.u32 s5, s6;
	s9 =	smin.u32 s9, s6  }
0xb: {  	s10 =	ssub.s32 s7, s10;
	s8 =	sshll.u32 s8, $0x8;
	s9 =	sshll.u32 s9, $0x8  }
0xc: {  	s10 =	smax.u32 s10, $0x1;
	s8 =	sand.u32 $0x1FFFFF00, s8;
	s31 =	sand.u32 $0x1FFFFF00, s9  }
0xd: {  	s9 =	sadd.s32 $0x38, s5;
	s7 =	sadd.s32 s2, s8;
	s8 =	sadd.s32 s2, s31  }
.LBB2_1:
0xe: {  	[tilespmem:s4], [sflag:$0x1] =	stream.linear.gather [hbm4b:s7+s4], $0xE000, $0x38;
	[tilespmem:$0x1C000] =	vst v63  }
0xf: {  	s17 =	simm.s32 $0x0  }
0x10: {  	[tilespmem:s11], [sflag:$0x2] =	stream.linear.gather [hbm4b:s8+s4], $0xE000, $0x38;
	[tilespmem:$0x1C000] =	vst v63  }
.LBB2_2:
0x11: {  	s19 =	smul.u32 $0x38, s17  }
0x12: {  	p0 =	seq.s32 s17, $0x0  }
0x13: {  	s18 =	sadd.s32 @!p0 $0x1C, s19  }
0x14: {  	s20 =	sadd.s32 @!p0 s5, s18  }
0x15: {  	_ =	swait.ge [sflag:s12], $0xE000;
	p1 =	slt.s32 @!p0 s20, s6  }
0x16: {  	[sflag:s12] =	ssyncset.done $0x0;
	p1 =	por !p1, p0  }
0x17: {  	s21 =	simm.s32 @!p0 $0x4;
	[sflag:s12] =	ssyncadd.s32 $0xFFFF2000;
	s20 =	smov.u32 @p1 s6  }
0x18: {  	_ =	swait.ge @!p0 [sflag:s21], $0x7000;
	s20 =	sshll.u32 @!p0 s20, $0x8  }
0x19: {  	s22 =	simm.s32 @!p0 $0xE000;
	[sflag:s21] =	ssyncset.done @!p0 $0x0;
	s20 =	sand.u32 @!p0 $0x1FFFFF00, s20  }
0x1a: {  	[sflag:s21] =	ssyncadd.s32 @!p0 $0xFFFF9000;
	s21 =	simm.s32 @!p0 $0x0;
	s20 =	sadd.s32 @!p0 s2, s20  }
0x1b: {  	[tilespmem:s22], [sflag:$0x2] =	stream.linear.gather @!p0 [hbm4b:s20+s21], $0xE000, $0x38;
	[tilespmem:$0x1C000] =	vst v63  }
0x1c: {  	s20 =	simm.s32 $0x3F0  }
0x1d: {  	v0 =	vld [tilespmem:s20+$0x10]  }
0x1e: {  	v1 =	vld [tilespmem:s20+$0x50]  }
0x1f: {  	v2 =	vld [tilespmem:s20+$0x90]  }
0x20: {  	v3 =	vld [tilespmem:s20+$0xD0]  }
0x21: {  	v4 =	vld [tilespmem:s20+$0x110]  }
0x22: {  	v5 =	vld [tilespmem:s20+$0x150]  }
0x23: {  	v6 =	vld [tilespmem:s20+$0x190]  }
0x24: {  	v7 =	vld [tilespmem:s20+$0x1D0]  }
0x25: {  	v8 =	vld [tilespmem:s20+$0x210]  }
0x26: {  	v9 =	vld [tilespmem:s20+$0x250]  }
0x27: {  	v10 =	vld [tilespmem:s20+$0x290]  }
0x28: {  	v11 =	vld [tilespmem:s20+$0x2D0]  }
0x29: {  	v12 =	vld [tilespmem:s20+$0xFFFFFC50]  }
0x2a: {  	v13 =	vld [tilespmem:s20+$0x310]  }
0x2b: {  	v15 =	vld [tilespmem:s20+$0xFFFFFCD0]  }
0x2c: {  	v16 =	vld [tilespmem:s20+$0xFFFFFC30];
	[tilespmem:s20+$0xFFFFFC50] =	vst v0  }
0x2d: {  	v17 =	vld [tilespmem:s20+$0xFFFFFCB0];
	[tilespmem:s20+$0xFFFFFCD0] =	vst v2  }
0x2e: {  	v18 =	vld [tilespmem:s20+$0xFFFFFDF0];
	[tilespmem:s20+$0xFFFFFC30] =	vst v12  }
0x2f: {  	v2 =	vld [tilespmem:s20+$0xFFFFFD50];
	[tilespmem:s20+$0xFFFFFD50] =	vst v4  }
0x30: {  	v12 =	vld [tilespmem:s20+$0xFFFFFC70];
	[tilespmem:s20+$0xFFFFFC70] =	vst v1  }
0x31: {  	v19 =	vld [tilespmem:s20+$0xFFFFFE30];
	[tilespmem:s20+$0xFFFFFCB0] =	vst v15  }
0x32: {  	v1 =	vld [tilespmem:s20+$0xFFFFFDD0];
	[tilespmem:s20+$0xFFFFFDD0] =	vst v6  }
0x33: {  	v6 =	vld [tilespmem:s20+$0xFFFFFCF0];
	[tilespmem:s20+$0xFFFFFCF0] =	vst v3  }
0x34: {  	v20 =	vld [tilespmem:s20+$0xFFFFFE70];
	[tilespmem:s20+$0xFFFFFDF0] =	vst v7  }
0x35: {  	v63 =	vld [tilespmem:s20+$0x1F0];
	[tilespmem:s20+$0xFFFFFE70] =	vst v9  }
0x36: {  	v4 =	vld [tilespmem:s20+$0xFFFFFEF0];
	[tilespmem:s20+$0xFFFFFEF0] =	vst v11  }
0x37: {  	v14 =	vld [tilespmem:s20+$0x350];
	[tilespmem:s20+$0xFFFFFC20] =	vst v16  }
0x38: {  	v0 =	vld [tilespmem:s20+$0x390];
	[tilespmem:s20+$0xFFFFFCA0] =	vst v17  }
0x39: {  	v15 =	vld [tilespmem:s20+$0xFFFFFD30];
	[tilespmem:s20+$0xFFFFFDC0] =	vst v18  }
0x3a: {  	v7 =	vld [tilespmem:s20+$0xFFFFFFD0];
	[tilespmem:s20+$0xFFFFFE00] =	vst v63  }
0x3b: {  	v3 =	vld [tilespmem:s20+$0xFFFFFEB0];
	[tilespmem:s20+$0xFFFFFE20] =	vst v19  }
0x3c: {  	v9 =	vld [tilespmem:s20+$0x70];
	[tilespmem:s20+$0xFFFFFE40] =	vst v20  }
0x3d: {  	v11 =	vld [tilespmem:s20+$0x130];
	[tilespmem:s20+$0xFFFFFD30] =	vst v2  }
0x3e: {  	v2 =	vld [tilespmem:s20+$0xFFFFFE50];
	[tilespmem:s20+$0xFFFFFE50] =	vst v8  }
0x3f: {  	v8 =	vld [tilespmem:s20+$0xFFFFFD70];
	[tilespmem:s20+$0xFFFFFD70] =	vst v5  }
0x40: {  	v5 =	vld [tilespmem:s20+$0xFFFFFDB0];
	[tilespmem:s20+$0xFFFFFDB0] =	vst v1  }
0x41: {  	v1 =	vld [tilespmem:s20+$0xFFFFFED0];
	[tilespmem:s20+$0xFFFFFED0] =	vst v10  }
0x42: {  	[tilespmem:s20+$0xFFFFFFD0] =	vst v0;
	v0 =	vld [tilespmem:s20+$0xFFFFFFB0]  }
0x43: {  	[tilespmem:s20+$0xFFFFFFB0] =	vst v7;
	v7 =	vld [tilespmem:s20+$0x30]  }
0x44: {  	[tilespmem:s20+$0xFFFFFC40] =	vst v12;
	v10 =	vld [tilespmem:s20+$0xB0]  }
0x45: {  	[tilespmem:s20+$0xFFFFFCC0] =	vst v6;
	v6 =	vld [tilespmem:s20+$0xF0]  }
0x46: {  	[tilespmem:s20+$0xFFFFFD20] =	vst v15;
	v15 =	vld [tilespmem:s20+$0x1B0]  }
0x47: {  	[tilespmem:s20+$0xFFFFFD60] =	vst v11;
	v11 =	vld [tilespmem:s20+$0x2B0]  }
0x48: {  	[tilespmem:s20+$0xFFFFFC80] =	vst v9;
	v12 =	vld [tilespmem:s20+$0x2F0]  }
0x49: {  	v9 =	vld [tilespmem:s20+$0x330];
	[tilespmem:s20+$0xFFFFFE30] =	vst v2  }
0x4a: {  	v2 =	vld [tilespmem:s20+$0xFFFFFF50];
	[tilespmem:s20+$0xFFFFFF50] =	vst v13  }
0x4b: {  	[tilespmem:s20+$0xFFFFFEB0] =	vst v1;
	v1 =	vld [tilespmem:s20+$0xFFFFFF30]  }
0x4c: {  	[tilespmem:s20+$0xFFFFFC60] =	vst v7;
	v7 =	vld [tilespmem:s20+$0x170]  }
0x4d: {  	[tilespmem:s20+$0xFFFFFCE0] =	vst v10;
	v13 =	vld [tilespmem:s20+$0x230]  }
0x4e: {  	[tilespmem:s20+$0xFFFFFD00] =	vst v6;
	v10 =	vld [tilespmem:s20+$0x370]  }
0x4f: {  	[tilespmem:s20+$0xFFFFFD40] =	vst v8;
	v6 =	vld [tilespmem:s20+$0x3B0]  }
0x50: {  	[tilespmem:s20+$0xFFFFFF30] =	vst v2;
	v2 =	vld [tilespmem:s20+$0xFFFFFF70]  }
0x51: {  	[tilespmem:s20+$0xFFFFFF70] =	vst v14;
	v14 =	vld [tilespmem:s20+$0x270]  }
0x52: {  	s22 =	sadd.s32 s5, s19;
	[tilespmem:s20+$0xFFFFFDA0] =	vst v5;
	v8 =	vld [tilespmem:s20+$0x3D0]  }
0x53: {  	s23 =	simm.s32 $0xBF0;
	s21 =	smov.u32 s6;
	p1 =	slt.s32 s22, s6;
	[tilespmem:s20+$0xFFFFFDE0] =	vst v15;
	v5 =	vld [tilespmem:s20+$0x3F0]  }
0x54: {  	s18 =	simm.s32 @p0 $0x1C;
	s21 =	smov.u32 @p1 s22;
	s22 =	simm.s32 $0x0;
	[tilespmem:s20+$0xFFFFFD80] =	vst v7;
	v7 =	vld [tilespmem:s20+$0xFFFFFFF0]  }
.LBB2_3:
0x55: {  	v15 =	vld [tilespmem:s23+$0x10];
	[tilespmem:s20+$0xFFFFFE60] =	vst v13  }
0x56: {  	v13 =	vld [tilespmem:s23+$0x50];
	[tilespmem:s20+$0xFFFFFE80] =	vst v14  }
0x57: {  	v14 =	vld [tilespmem:s23+$0x90];
	[tilespmem:s20+$0xFFFFFEA0] =	vst v3  }
0x58: {  	v3 =	vld [tilespmem:s23+$0xD0];
	[tilespmem:s20+$0xFFFFFEC0] =	vst v4  }
0x59: {  	v4 =	vld [tilespmem:s23+$0x110];
	[tilespmem:s20+$0xFFFFFEE0] =	vst v11  }
0x5a: {  	v11 =	vld [tilespmem:s23+$0x150];
	[tilespmem:s20+$0xFFFFFF00] =	vst v12  }
0x5b: {  	v12 =	vld [tilespmem:s23+$0x190];
	[tilespmem:s20+$0xFFFFFF20] =	vst v1  }
0x5c: {  	v1 =	vld [tilespmem:s23+$0x1D0];
	[tilespmem:s20+$0xFFFFFF40] =	vst v2  }
0x5d: {  	v2 =	vld [tilespmem:s23+$0x210];
	[tilespmem:s20+$0xFFFFFF60] =	vst v9  }
0x5e: {  	v9 =	vld [tilespmem:s23+$0x250];
	[tilespmem:s20+$0xFFFFFF80] =	vst v10  }
0x5f: {  	v10 =	vld [tilespmem:s23+$0x290];
	[tilespmem:s20+$0xFFFFFFA0] =	vst v0  }
0x60: {  	v0 =	vld [tilespmem:s23+$0x2D0];
	[tilespmem:s20+$0xFFFFFFC0] =	vst v7  }
0x61: {  	v7 =	vld [tilespmem:s23+$0xFFFFFC50];
	[tilespmem:s23+$0xFFFFFC50] =	vst v15  }
0x62: {  	v15 =	vld [tilespmem:s23+$0x310];
	[tilespmem:s20+$0xFFFFFFE0] =	vst v6  }
0x63: {  	v6 =	vld [tilespmem:s23+$0x350];
	[tilespmem:s20+$0xFFFFFFF0] =	vst v8  }
0x64: {  	v8 =	vld [tilespmem:s23+$0xFFFFFCD0];
	[tilespmem:s23+$0xFFFFFCD0] =	vst v14  }
0x65: {  	v14 =	vld [tilespmem:s23+$0x390];
	[tilespmem:s20+$0x0] =	vst v5;
	s20 =	smov.u32 s23  }
0x66: {  	v5 =	vld [tilespmem:s23+$0xFFFFFC30];
	[tilespmem:s23+$0xFFFFFC30] =	vst v7  }
0x67: {  	v7 =	vld [tilespmem:s23+$0xFFFFFD50];
	[tilespmem:s23+$0xFFFFFD50] =	vst v4  }
0x68: {  	v16 =	vld [tilespmem:s23+$0xFFFFFC70];
	[tilespmem:s23+$0xFFFFFC70] =	vst v13  }
0x69: {  	v13 =	vld [tilespmem:s23+$0xFFFFFCB0];
	[tilespmem:s23+$0xFFFFFCB0] =	vst v8  }
0x6a: {  	v4 =	vld [tilespmem:s23+$0xFFFFFDD0];
	[tilespmem:s23+$0xFFFFFDD0] =	vst v12  }
0x6b: {  	v8 =	vld [tilespmem:s23+$0xFFFFFCF0];
	[tilespmem:s23+$0xFFFFFCF0] =	vst v3  }
0x6c: {  	v12 =	vld [tilespmem:s23+$0xFFFFFD30];
	[tilespmem:s23+$0xFFFFFD30] =	vst v7  }
0x6d: {  	v3 =	vld [tilespmem:s23+$0xFFFFFE50];
	[tilespmem:s23+$0xFFFFFE50] =	vst v2  }
0x6e: {  	v7 =	vld [tilespmem:s23+$0xFFFFFD70];
	[tilespmem:s23+$0xFFFFFD70] =	vst v11  }
0x6f: {  	v17 =	vld [tilespmem:s23+$0xFFFFFDB0];
	[tilespmem:s23+$0xFFFFFDB0] =	vst v4  }
0x70: {  	v18 =	vld [tilespmem:s23+$0xFFFFFDF0];
	[tilespmem:s23+$0xFFFFFDF0] =	vst v1  }
0x71: {  	v1 =	vld [tilespmem:s23+$0xFFFFFED0];
	[tilespmem:s23+$0xFFFFFED0] =	vst v10  }
0x72: {  	v19 =	vld [tilespmem:s23+$0xFFFFFE30];
	[tilespmem:s23+$0xFFFFFE30] =	vst v3  }
0x73: {  	v2 =	vld [tilespmem:s23+$0xFFFFFF50];
	[tilespmem:s23+$0xFFFFFF50] =	vst v15  }
0x74: {  	v15 =	vld [tilespmem:s23+$0xFFFFFE70];
	[tilespmem:s23+$0xFFFFFE70] =	vst v9  }
0x75: {  	s22 =	sadd.s32 $0x8, s22;
	v9 =	vld [tilespmem:s23+$0xFFFFFFD0];
	[tilespmem:s23+$0xFFFFFFD0] =	vst v14  }
0x76: {  	p0 =	slt.u32 s22, $0xD8;
	v3 =	vld [tilespmem:s23+$0xFFFFFEB0];
	[tilespmem:s23+$0xFFFFFEB0] =	vst v1  }
0x77: {  	v4 =	vld [tilespmem:s23+$0xFFFFFEF0];
	[tilespmem:s23+$0xFFFFFEF0] =	vst v0  }
0x78: {  	v1 =	vld [tilespmem:s23+$0xFFFFFF30];
	[tilespmem:s23+$0xFFFFFF30] =	vst v2  }
0x79: {  	v2 =	vld [tilespmem:s23+$0xFFFFFF70];
	[tilespmem:s23+$0xFFFFFF70] =	vst v6  }
0x7a: {  	v0 =	vld [tilespmem:s23+$0xFFFFFFB0];
	[tilespmem:s23+$0xFFFFFFB0] =	vst v9  }
0x7b: {  	[tilespmem:s23+$0xFFFFFC20] =	vst v5;
	v5 =	vld [tilespmem:s23+$0x30]  }
0x7c: {  	[tilespmem:s23+$0xFFFFFC40] =	vst v16;
	v6 =	vld [tilespmem:s23+$0x70]  }
0x7d: {  	[tilespmem:s23+$0xFFFFFCA0] =	vst v13;
	v9 =	vld [tilespmem:s23+$0xB0]  }
0x7e: {  	[tilespmem:s23+$0xFFFFFCC0] =	vst v8;
	v8 =	vld [tilespmem:s23+$0xF0]  }
0x7f: {  	[tilespmem:s23+$0xFFFFFD20] =	vst v12;
	v10 =	vld [tilespmem:s23+$0x130]  }
0x80: {  	[tilespmem:s23+$0xFFFFFC60] =	vst v5;
	v5 =	vld [tilespmem:s23+$0x170]  }
0x81: {  	[tilespmem:s23+$0xFFFFFC80] =	vst v6;
	v6 =	vld [tilespmem:s23+$0x1B0]  }
0x82: {  	[tilespmem:s23+$0xFFFFFCE0] =	vst v9;
	v16 =	vld [tilespmem:s23+$0x1F0]  }
0x83: {  	[tilespmem:s23+$0xFFFFFD00] =	vst v8;
	v13 =	vld [tilespmem:s23+$0x230]  }
0x84: {  	[tilespmem:s23+$0xFFFFFD40] =	vst v7;
	v14 =	vld [tilespmem:s23+$0x270]  }
0x85: {  	[tilespmem:s23+$0xFFFFFD60] =	vst v10;
	v11 =	vld [tilespmem:s23+$0x2B0]  }
0x86: {  	[tilespmem:s23+$0xFFFFFD80] =	vst v5;
	v12 =	vld [tilespmem:s23+$0x2F0]  }
0x87: {  	[tilespmem:s23+$0xFFFFFDA0] =	vst v17;
	v9 =	vld [tilespmem:s23+$0x330]  }
.Ltmp0:
0x88: {  	[tilespmem:s23+$0xFFFFFDC0] =	vst v18;
	v10 =	vld [tilespmem:s23+$0x370];
	(pc) =	sbr.rel @p0 .LBB2_3-.Ltmp0, $4  }
0x89: {  	[tilespmem:s23+$0xFFFFFDE0] =	vst v6;
	v7 =	vld [tilespmem:s23+$0xFFFFFFF0]  }
0x8a: {  	[tilespmem:s23+$0xFFFFFE00] =	vst v16;
	v6 =	vld [tilespmem:s23+$0x3B0]  }
0x8b: {  	[tilespmem:s23+$0xFFFFFE20] =	vst v19;
	v8 =	vld [tilespmem:s23+$0x3D0]  }
0x8c: {  	s23 =	sadd.s32 $0x800, s23;
	[tilespmem:s20+$0xFFFFFE40] =	vst v15;
	v5 =	vld [tilespmem:s20+$0x3F0]  }
0x8d: {  	[tilespmem:s20+$0xFFFFFE60] =	vst v13  }
0x8e: {  	[tilespmem:s20+$0xFFFFFE80] =	vst v14  }
0x8f: {  	[tilespmem:s20+$0xFFFFFEA0] =	vst v3  }
0x90: {  	[tilespmem:s20+$0xFFFFFEC0] =	vst v4  }
0x91: {  	[tilespmem:s20+$0xFFFFFEE0] =	vst v11  }
0x92: {  	[tilespmem:s20+$0xFFFFFF00] =	vst v12  }
0x93: {  	[tilespmem:s20+$0xFFFFFF20] =	vst v1  }
0x94: {  	[tilespmem:s20+$0xFFFFFF40] =	vst v2  }
0x95: {  	[tilespmem:s20+$0xFFFFFF60] =	vst v9  }
0x96: {  	[tilespmem:s20+$0xFFFFFF80] =	vst v10  }
0x97: {  	[tilespmem:s20+$0xFFFFFFA0] =	vst v0  }
0x98: {  	s21 =	sshll.u32 s21, $0x7;
	[tilespmem:s20+$0xFFFFFFC0] =	vst v7  }
0x99: {  	s21 =	sand.u32 $0x1FFFFF80, s21;
	[tilespmem:s20+$0xFFFFFFE0] =	vst v6  }
0x9a: {  	s22 =	simm.s32 $0x0;
	s21 =	sadd.s32 s3, s21;
	[tilespmem:s20+$0xFFFFFFF0] =	vst v8  }
0x9b: {  	s23 =	simm.s32 $0x800;
	s24 =	sadd.s32 $0x0, s21;
	[tilespmem:s20+$0x0] =	vst v5;
	s20 =	simm.s32 $0x80  }
.LBB2_5:
0x9c: {  	[hbm4b:s24+s4] =	stream.linear.scatter [tilespmem:s22], [sflag:$0x3], $0x400, $0x38;
	[tilespmem:$0x1C000] =	vst v63  }
0x9d: {  	s24 =	smov.u32 s20;
	s22 =	smov.u32 s23;
	p0 =	sne.s32 s20, $0xD80  }
.Ltmp1:
0x9e: {  	s20 =	sadd.s32 $0x80, s20;
	(pc) =	sbr.rel @p0 .LBB2_5-.Ltmp1, $2  }
0x9f: {  	_ =	sdelay $0x2  }
0xa0: {  	s23 =	sadd.s32 $0x800, s23;
	s24 =	sadd.s32 s24, s21  }
0xa1: {  	[hbm4b:s24+s4] =	stream.linear.scatter [tilespmem:s22], [sflag:$0x3], $0x400, $0x38;
	[tilespmem:$0x1C000] =	vst v63  }
0xa2: {  	p0 =	seq.s32 s17, $0x6  }
0xa3: {  	s19 =	sadd.s32 @!p0 s19, s9  }
0xa4: {  	_ =	swait.ge [sflag:s13], $0xE000;
	p1 =	slt.s32 @!p0 s19, s6  }
0xa5: {  	[sflag:s13] =	ssyncset.done $0x0;
	p1 =	por !p1, p0  }
0xa6: {  	[sflag:s13] =	ssyncadd.s32 $0xFFFF2000;
	s19 =	smov.u32 @p1 s6  }
0xa7: {  	_ =	swait.ge [sflag:s14], $0x7000;
	s19 =	sshll.u32 @!p0 s19, $0x8  }
0xa8: {  	[sflag:s14] =	ssyncset.done $0x0;
	s19 =	sand.u32 @!p0 $0x1FFFFF00, s19  }
0xa9: {  	s20 =	simm.s32 @!p0 $0x0;
	[sflag:s14] =	ssyncadd.s32 $0xFFFF9000;
	s19 =	sadd.s32 @!p0 s2, s19  }
0xaa: {  	[tilespmem:s20], [sflag:$0x1] =	stream.linear.gather @!p0 [hbm4b:s19+s20], $0xE000, $0x38;
	[tilespmem:$0x1C000] =	vst v63  }
0xab: {  	s19 =	simm.s32 $0xE3F0  }
0xac: {  	v0 =	vld [tilespmem:s19+$0x10]  }
0xad: {  	v1 =	vld [tilespmem:s19+$0x50]  }
0xae: {  	v2 =	vld [tilespmem:s19+$0x90]  }
0xaf: {  	v3 =	vld [tilespmem:s19+$0xD0]  }
0xb0: {  	v4 =	vld [tilespmem:s19+$0x110]  }
0xb1: {  	v5 =	vld [tilespmem:s19+$0x150]  }
0xb2: {  	v6 =	vld [tilespmem:s19+$0x190]  }
0xb3: {  	v7 =	vld [tilespmem:s19+$0x1D0]  }
0xb4: {  	v8 =	vld [tilespmem:s19+$0x210]  }
0xb5: {  	v9 =	vld [tilespmem:s19+$0x250]  }
0xb6: {  	v10 =	vld [tilespmem:s19+$0x290]  }
0xb7: {  	v11 =	vld [tilespmem:s19+$0x2D0]  }
0xb8: {  	v12 =	vld [tilespmem:s19+$0xFFFFFC50]  }
0xb9: {  	v13 =	vld [tilespmem:s19+$0x310]  }
0xba: {  	v15 =	vld [tilespmem:s19+$0xFFFFFCD0]  }
0xbb: {  	v16 =	vld [tilespmem:s19+$0xFFFFFC30];
	[tilespmem:s19+$0xFFFFFC50] =	vst v0  }
0xbc: {  	v17 =	vld [tilespmem:s19+$0xFFFFFCB0];
	[tilespmem:s19+$0xFFFFFCD0] =	vst v2  }
0xbd: {  	v18 =	vld [tilespmem:s19+$0xFFFFFDF0];
	[tilespmem:s19+$0xFFFFFC30] =	vst v12  }
0xbe: {  	v2 =	vld [tilespmem:s19+$0xFFFFFD50];
	[tilespmem:s19+$0xFFFFFD50] =	vst v4  }
0xbf: {  	v12 =	vld [tilespmem:s19+$0xFFFFFC70];
	[tilespmem:s19+$0xFFFFFC70] =	vst v1  }
0xc0: {  	v19 =	vld [tilespmem:s19+$0xFFFFFE30];
	[tilespmem:s19+$0xFFFFFCB0] =	vst v15  }
0xc1: {  	v1 =	vld [tilespmem:s19+$0xFFFFFDD0];
	[tilespmem:s19+$0xFFFFFDD0] =	vst v6  }
0xc2: {  	v6 =	vld [tilespmem:s19+$0xFFFFFCF0];
	[tilespmem:s19+$0xFFFFFCF0] =	vst v3  }
0xc3: {  	v20 =	vld [tilespmem:s19+$0xFFFFFE70];
	[tilespmem:s19+$0xFFFFFDF0] =	vst v7  }
0xc4: {  	v63 =	vld [tilespmem:s19+$0x1F0];
	[tilespmem:s19+$0xFFFFFE70] =	vst v9  }
0xc5: {  	v4 =	vld [tilespmem:s19+$0xFFFFFEF0];
	[tilespmem:s19+$0xFFFFFEF0] =	vst v11  }
0xc6: {  	v14 =	vld [tilespmem:s19+$0x350];
	[tilespmem:s19+$0xFFFFFC20] =	vst v16  }
0xc7: {  	v0 =	vld [tilespmem:s19+$0x390];
	[tilespmem:s19+$0xFFFFFCA0] =	vst v17  }
0xc8: {  	v15 =	vld [tilespmem:s19+$0xFFFFFD30];
	[tilespmem:s19+$0xFFFFFDC0] =	vst v18  }
0xc9: {  	v7 =	vld [tilespmem:s19+$0xFFFFFFD0];
	[tilespmem:s19+$0xFFFFFE00] =	vst v63  }
0xca: {  	v3 =	vld [tilespmem:s19+$0xFFFFFEB0];
	[tilespmem:s19+$0xFFFFFE20] =	vst v19  }
0xcb: {  	v9 =	vld [tilespmem:s19+$0x70];
	[tilespmem:s19+$0xFFFFFE40] =	vst v20  }
0xcc: {  	v11 =	vld [tilespmem:s19+$0x130];
	[tilespmem:s19+$0xFFFFFD30] =	vst v2  }
0xcd: {  	v2 =	vld [tilespmem:s19+$0xFFFFFE50];
	[tilespmem:s19+$0xFFFFFE50] =	vst v8  }
0xce: {  	v8 =	vld [tilespmem:s19+$0xFFFFFD70];
	[tilespmem:s19+$0xFFFFFD70] =	vst v5  }
0xcf: {  	v5 =	vld [tilespmem:s19+$0xFFFFFDB0];
	[tilespmem:s19+$0xFFFFFDB0] =	vst v1  }
0xd0: {  	v1 =	vld [tilespmem:s19+$0xFFFFFED0];
	[tilespmem:s19+$0xFFFFFED0] =	vst v10  }
0xd1: {  	[tilespmem:s19+$0xFFFFFFD0] =	vst v0;
	v0 =	vld [tilespmem:s19+$0xFFFFFFB0]  }
0xd2: {  	[tilespmem:s19+$0xFFFFFFB0] =	vst v7;
	v7 =	vld [tilespmem:s19+$0x30]  }
0xd3: {  	[tilespmem:s19+$0xFFFFFC40] =	vst v12;
	v10 =	vld [tilespmem:s19+$0xB0]  }
0xd4: {  	[tilespmem:s19+$0xFFFFFCC0] =	vst v6;
	v6 =	vld [tilespmem:s19+$0xF0]  }
0xd5: {  	[tilespmem:s19+$0xFFFFFD20] =	vst v15;
	v15 =	vld [tilespmem:s19+$0x1B0]  }
0xd6: {  	[tilespmem:s19+$0xFFFFFD60] =	vst v11;
	v11 =	vld [tilespmem:s19+$0x2B0]  }
0xd7: {  	[tilespmem:s19+$0xFFFFFC80] =	vst v9;
	v12 =	vld [tilespmem:s19+$0x2F0]  }
0xd8: {  	v9 =	vld [tilespmem:s19+$0x330];
	[tilespmem:s19+$0xFFFFFE30] =	vst v2  }
0xd9: {  	v2 =	vld [tilespmem:s19+$0xFFFFFF50];
	[tilespmem:s19+$0xFFFFFF50] =	vst v13  }
0xda: {  	[tilespmem:s19+$0xFFFFFEB0] =	vst v1;
	v1 =	vld [tilespmem:s19+$0xFFFFFF30]  }
0xdb: {  	[tilespmem:s19+$0xFFFFFC60] =	vst v7;
	v7 =	vld [tilespmem:s19+$0x170]  }
0xdc: {  	[tilespmem:s19+$0xFFFFFCE0] =	vst v10;
	v13 =	vld [tilespmem:s19+$0x230]  }
0xdd: {  	[tilespmem:s19+$0xFFFFFD00] =	vst v6;
	v10 =	vld [tilespmem:s19+$0x370]  }
0xde: {  	[tilespmem:s19+$0xFFFFFDA0] =	vst v5;
	v5 =	vld [tilespmem:s19+$0x3B0]  }
0xdf: {  	[tilespmem:s19+$0xFFFFFF30] =	vst v2;
	v2 =	vld [tilespmem:s19+$0xFFFFFF70]  }
0xe0: {  	[tilespmem:s19+$0xFFFFFF70] =	vst v14;
	v14 =	vld [tilespmem:s19+$0x270]  }
0xe1: {  	s20 =	sadd.s32 s5, s18;
	[tilespmem:s19+$0xFFFFFD40] =	vst v8;
	v8 =	vld [tilespmem:s19+$0x3D0]  }
0xe2: {  	s18 =	smov.u32 s6;
	p0 =	slt.s32 s20, s6;
	[tilespmem:s19+$0xFFFFFDE0] =	vst v15;
	v6 =	vld [tilespmem:s19+$0x3F0]  }
0xe3: {  	s21 =	simm.s32 $0xEBF0;
	s18 =	smov.u32 @p0 s20;
	s20 =	simm.s32 $0x0;
	[tilespmem:s19+$0xFFFFFD80] =	vst v7;
	v7 =	vld [tilespmem:s19+$0xFFFFFFF0]  }
.LBB2_7:
0xe4: {  	v15 =	vld [tilespmem:s21+$0x10];
	[tilespmem:s19+$0xFFFFFE60] =	vst v13  }
0xe5: {  	v13 =	vld [tilespmem:s21+$0x50];
	[tilespmem:s19+$0xFFFFFE80] =	vst v14  }
0xe6: {  	v14 =	vld [tilespmem:s21+$0x90];
	[tilespmem:s19+$0xFFFFFEA0] =	vst v3  }
0xe7: {  	v3 =	vld [tilespmem:s21+$0xD0];
	[tilespmem:s19+$0xFFFFFEC0] =	vst v4  }
0xe8: {  	v4 =	vld [tilespmem:s21+$0x110];
	[tilespmem:s19+$0xFFFFFEE0] =	vst v11  }
0xe9: {  	v11 =	vld [tilespmem:s21+$0x150];
	[tilespmem:s19+$0xFFFFFF00] =	vst v12  }
0xea: {  	v12 =	vld [tilespmem:s21+$0x190];
	[tilespmem:s19+$0xFFFFFF20] =	vst v1  }
0xeb: {  	v1 =	vld [tilespmem:s21+$0x1D0];
	[tilespmem:s19+$0xFFFFFF40] =	vst v2  }
0xec: {  	v2 =	vld [tilespmem:s21+$0x210];
	[tilespmem:s19+$0xFFFFFF60] =	vst v9  }
0xed: {  	v9 =	vld [tilespmem:s21+$0x250];
	[tilespmem:s19+$0xFFFFFF80] =	vst v10  }
0xee: {  	v10 =	vld [tilespmem:s21+$0x290];
	[tilespmem:s19+$0xFFFFFFA0] =	vst v0  }
0xef: {  	v0 =	vld [tilespmem:s21+$0x2D0];
	[tilespmem:s19+$0xFFFFFFC0] =	vst v7  }
0xf0: {  	v7 =	vld [tilespmem:s21+$0xFFFFFC50];
	[tilespmem:s21+$0xFFFFFC50] =	vst v15  }
0xf1: {  	v15 =	vld [tilespmem:s21+$0x310];
	[tilespmem:s19+$0xFFFFFFE0] =	vst v5  }
0xf2: {  	v5 =	vld [tilespmem:s21+$0x350];
	[tilespmem:s19+$0xFFFFFFF0] =	vst v8  }
0xf3: {  	v8 =	vld [tilespmem:s21+$0xFFFFFCD0];
	[tilespmem:s21+$0xFFFFFCD0] =	vst v14  }
0xf4: {  	v14 =	vld [tilespmem:s21+$0x390];
	[tilespmem:s19+$0x0] =	vst v6;
	s19 =	smov.u32 s21  }
0xf5: {  	v6 =	vld [tilespmem:s21+$0xFFFFFC30];
	[tilespmem:s21+$0xFFFFFC30] =	vst v7  }
0xf6: {  	v7 =	vld [tilespmem:s21+$0xFFFFFD50];
	[tilespmem:s21+$0xFFFFFD50] =	vst v4  }
0xf7: {  	v16 =	vld [tilespmem:s21+$0xFFFFFC70];
	[tilespmem:s21+$0xFFFFFC70] =	vst v13  }
0xf8: {  	v13 =	vld [tilespmem:s21+$0xFFFFFCB0];
	[tilespmem:s21+$0xFFFFFCB0] =	vst v8  }
0xf9: {  	v4 =	vld [tilespmem:s21+$0xFFFFFDD0];
	[tilespmem:s21+$0xFFFFFDD0] =	vst v12  }
0xfa: {  	v8 =	vld [tilespmem:s21+$0xFFFFFCF0];
	[tilespmem:s21+$0xFFFFFCF0] =	vst v3  }
0xfb: {  	v12 =	vld [tilespmem:s21+$0xFFFFFD30];
	[tilespmem:s21+$0xFFFFFD30] =	vst v7  }
0xfc: {  	v3 =	vld [tilespmem:s21+$0xFFFFFE50];
	[tilespmem:s21+$0xFFFFFE50] =	vst v2  }
0xfd: {  	v7 =	vld [tilespmem:s21+$0xFFFFFD70];
	[tilespmem:s21+$0xFFFFFD70] =	vst v11  }
0xfe: {  	v17 =	vld [tilespmem:s21+$0xFFFFFDB0];
	[tilespmem:s21+$0xFFFFFDB0] =	vst v4  }
0xff: {  	v18 =	vld [tilespmem:s21+$0xFFFFFDF0];
	[tilespmem:s21+$0xFFFFFDF0] =	vst v1  }
0x100: {  	v1 =	vld [tilespmem:s21+$0xFFFFFED0];
	[tilespmem:s21+$0xFFFFFED0] =	vst v10  }
0x101: {  	v19 =	vld [tilespmem:s21+$0xFFFFFE30];
	[tilespmem:s21+$0xFFFFFE30] =	vst v3  }
0x102: {  	v2 =	vld [tilespmem:s21+$0xFFFFFF50];
	[tilespmem:s21+$0xFFFFFF50] =	vst v15  }
0x103: {  	v15 =	vld [tilespmem:s21+$0xFFFFFE70];
	[tilespmem:s21+$0xFFFFFE70] =	vst v9  }
0x104: {  	s20 =	sadd.s32 $0x8, s20;
	v9 =	vld [tilespmem:s21+$0xFFFFFFD0];
	[tilespmem:s21+$0xFFFFFFD0] =	vst v14  }
0x105: {  	p0 =	slt.u32 s20, $0xD8;
	v3 =	vld [tilespmem:s21+$0xFFFFFEB0];
	[tilespmem:s21+$0xFFFFFEB0] =	vst v1  }
0x106: {  	v4 =	vld [tilespmem:s21+$0xFFFFFEF0];
	[tilespmem:s21+$0xFFFFFEF0] =	vst v0  }
0x107: {  	v1 =	vld [tilespmem:s21+$0xFFFFFF30];
	[tilespmem:s21+$0xFFFFFF30] =	vst v2  }
0x108: {  	v2 =	vld [tilespmem:s21+$0xFFFFFF70];
	[tilespmem:s21+$0xFFFFFF70] =	vst v5  }
0x109: {  	v0 =	vld [tilespmem:s21+$0xFFFFFFB0];
	[tilespmem:s21+$0xFFFFFFB0] =	vst v9  }
0x10a: {  	[tilespmem:s21+$0xFFFFFC20] =	vst v6;
	v5 =	vld [tilespmem:s21+$0x30]  }
0x10b: {  	[tilespmem:s21+$0xFFFFFC40] =	vst v16;
	v6 =	vld [tilespmem:s21+$0x70]  }
0x10c: {  	[tilespmem:s21+$0xFFFFFCA0] =	vst v13;
	v9 =	vld [tilespmem:s21+$0xB0]  }
0x10d: {  	[tilespmem:s21+$0xFFFFFCC0] =	vst v8;
	v8 =	vld [tilespmem:s21+$0xF0]  }
0x10e: {  	[tilespmem:s21+$0xFFFFFD20] =	vst v12;
	v10 =	vld [tilespmem:s21+$0x130]  }
0x10f: {  	[tilespmem:s21+$0xFFFFFC60] =	vst v5;
	v5 =	vld [tilespmem:s21+$0x170]  }
0x110: {  	[tilespmem:s21+$0xFFFFFC80] =	vst v6;
	v6 =	vld [tilespmem:s21+$0x1B0]  }
0x111: {  	[tilespmem:s21+$0xFFFFFCE0] =	vst v9;
	v16 =	vld [tilespmem:s21+$0x1F0]  }
0x112: {  	[tilespmem:s21+$0xFFFFFD00] =	vst v8;
	v13 =	vld [tilespmem:s21+$0x230]  }
0x113: {  	[tilespmem:s21+$0xFFFFFD40] =	vst v7;
	v14 =	vld [tilespmem:s21+$0x270]  }
0x114: {  	[tilespmem:s21+$0xFFFFFD60] =	vst v10;
	v11 =	vld [tilespmem:s21+$0x2B0]  }
0x115: {  	[tilespmem:s21+$0xFFFFFD80] =	vst v5;
	v12 =	vld [tilespmem:s21+$0x2F0]  }
0x116: {  	[tilespmem:s21+$0xFFFFFDA0] =	vst v17;
	v9 =	vld [tilespmem:s21+$0x330]  }
.Ltmp2:
0x117: {  	[tilespmem:s21+$0xFFFFFDC0] =	vst v18;
	v10 =	vld [tilespmem:s21+$0x370];
	(pc) =	sbr.rel @p0 .LBB2_7-.Ltmp2, $4  }
0x118: {  	[tilespmem:s21+$0xFFFFFDE0] =	vst v6;
	v7 =	vld [tilespmem:s21+$0xFFFFFFF0]  }
0x119: {  	[tilespmem:s21+$0xFFFFFE00] =	vst v16;
	v5 =	vld [tilespmem:s21+$0x3B0]  }
0x11a: {  	[tilespmem:s21+$0xFFFFFE20] =	vst v19;
	v8 =	vld [tilespmem:s21+$0x3D0]  }
0x11b: {  	s21 =	sadd.s32 $0x800, s21;
	[tilespmem:s19+$0xFFFFFE40] =	vst v15;
	v6 =	vld [tilespmem:s19+$0x3F0]  }
0x11c: {  	[tilespmem:s19+$0xFFFFFE60] =	vst v13  }
0x11d: {  	[tilespmem:s19+$0xFFFFFE80] =	vst v14  }
0x11e: {  	[tilespmem:s19+$0xFFFFFEA0] =	vst v3  }
0x11f: {  	[tilespmem:s19+$0xFFFFFEC0] =	vst v4  }
0x120: {  	[tilespmem:s19+$0xFFFFFEE0] =	vst v11  }
0x121: {  	[tilespmem:s19+$0xFFFFFF00] =	vst v12  }
0x122: {  	[tilespmem:s19+$0xFFFFFF20] =	vst v1  }
0x123: {  	[tilespmem:s19+$0xFFFFFF40] =	vst v2  }
0x124: {  	[tilespmem:s19+$0xFFFFFF60] =	vst v9  }
0x125: {  	[tilespmem:s19+$0xFFFFFF80] =	vst v10  }
0x126: {  	[tilespmem:s19+$0xFFFFFFA0] =	vst v0  }
0x127: {  	s18 =	sshll.u32 s18, $0x7;
	[tilespmem:s19+$0xFFFFFFC0] =	vst v7  }
0x128: {  	s18 =	sand.u32 $0x1FFFFF80, s18;
	[tilespmem:s19+$0xFFFFFFE0] =	vst v5  }
0x129: {  	s20 =	simm.s32 $0xE000;
	s18 =	sadd.s32 s3, s18;
	[tilespmem:s19+$0xFFFFFFF0] =	vst v8  }
0x12a: {  	s21 =	simm.s32 $0xE800;
	s22 =	sadd.s32 $0x0, s18;
	[tilespmem:s19+$0x0] =	vst v6;
	s19 =	simm.s32 $0x80  }
.LBB2_9:
0x12b: {  	[hbm4b:s22+s4] =	stream.linear.scatter [tilespmem:s20], [sflag:$0x4], $0x400, $0x38;
	[tilespmem:$0x1C000] =	vst v63  }
0x12c: {  	s22 =	smov.u32 s19;
	s20 =	smov.u32 s21;
	p0 =	sne.s32 s19, $0xD80  }
.Ltmp3:
0x12d: {  	s19 =	sadd.s32 $0x80, s19;
	(pc) =	sbr.rel @p0 .LBB2_9-.Ltmp3, $2  }
0x12e: {  	_ =	sdelay $0x2  }
0x12f: {  	s21 =	sadd.s32 $0x800, s21;
	s22 =	sadd.s32 s22, s18  }
0x130: {  	s17 =	sadd.s32 $0x1, s17  }
0x131: {  	p0 =	sne.s32 s17, $0x7  }
.Ltmp4:
0x132: {  	_ = 	snop;
	(pc) =	sbr.rel @p0 .LBB2_2-.Ltmp4, $2  }
0x133: {  	_ =	sdelay $0x2  }
0x134: {  	[hbm4b:s22+s4] =	stream.linear.scatter [tilespmem:s20], [sflag:$0x4], $0x400, $0x38;
	[tilespmem:$0x1C000] =	vst v63  }
0x135: {  	s16 =	sadd.s32 $0x1, s16  }
0x136: {  	p0 =	sne.s32 s16, s10  }
.Ltmp5:
0x137: {  	_ = 	snop;
	(pc) =	sbr.rel @p0 .LBB2_1-.Ltmp5, $4  }
0x138: {  	_ = 	snop  }
0x139: {  	_ =	swait.ge [sflag:s15], $0x7000  }
0x13a: {  	[sflag:s15] =	ssyncset.done $0x0  }
0x13b: {  	[sflag:s15] =	ssyncadd.s32 $0xFFFF9000  }
0x13c: {  	_ =	sfence.sel $0x180000  }
0x13d: {  	[bflag:$0x0] =	sbarrier.arrive $0xFFFF  }
0x13e: {  	p0 =	sne.s32 s0, $0x0;
	_ =	strace $0x90000047  }
0x13f: {  	s0 =	sadd.s32 @!p0 $0x100000, s1;
	[bflag:$0x2] =	sbarrier.arrive $0xFFFF  }
0x140: {  	[sflag:s0] =	ssyncadd.tile.s32 @!p0 $0x1;
	_ =	shalt  }
.Lfunc_end2:
_tile_overlayer_lowered:
.L_overlay_start_2:
0x141: {  	(tag) =	ssettag $0x2  }
0x142: {  	s0 =	rddreg [dreg:$0x0];
	s2 =	stileid.u32  }
0x143: {  	s1 =	rddreg [dreg:$0x1];
	p0 =	sne.s32 s2, $0x0  }
0x144: {  	s3 =	rddreg [dreg:$0x2];
	[bflag:$0x3] =	sbarrier.arrive $0xFFFF;
	s2 =	simm.s32 @!p0 $0x1C05  }
0x145: {  	[timem:s3], [sflag:s2] =	dma.local @!p0 [hbm:s0], s1  }
0x146: {  	s0 =	simm.s32 @!p0 $0x5  }
0x147: {  	_ =	swait.ge @!p0 [sflag:s0], s1  }
0x148: {  	s1 =	ssub.s32 @!p0 $0x0, s1;
	[sflag:s0] =	ssyncset.done @!p0 $0x0  }
0x149: {  	[sflag:s0] =	ssyncadd.s32 @!p0 s1  }
0x14a: {  	[bflag:$0x3] =	sbarrier.arrive $0xFFFF  }
0x14b: {  	_ =	shalt  }

</sc_bundles>
